<compile_context>
chip_gen: v7x
topology: tpu7x:2x2x1
jax: 0.10.2.dev20260603
libtpu: 0.0.44.dev20260713+nightly
codegen_flags: <defaults>
</compile_context>

<pallas_src>
import functools

import jax
import jax.numpy as jnp
from jax import lax
from jax.experimental import pallas as pl
from jax.experimental.pallas import tpu as pltpu
from jax.experimental.pallas import tpu_sc as plsc

_LANES = 384
_ROWS = 147456

_BLOCK_ROWS = 8192
_CH = 8
_UNROLL = 8
_TC_BLOCKS = 16

_NC = 2
_NS = 16
_NW = _NC * _NS
_L = 16
_BUF_ROWS = 128


def _tc_body(x_ref, out_ref, acc_o, acc_u):
    i = pl.program_id(0)

    def body(k, carry):
        ao, au = carry
        base = k * (_CH * _UNROLL)
        for j in range(_UNROLL):
            x = x_ref[pl.ds(base + j * _CH, _CH), :]
            t = x - 1.0
            o = jnp.maximum(t, 0.0)
            u = jnp.minimum(x, 0.0)
            ao = ao + o * o
            au = au + u * u
        return ao, au

    z = jnp.zeros((_CH, _LANES), jnp.float32)
    n_iter = _BLOCK_ROWS // (_CH * _UNROLL)
    ao, au = lax.fori_loop(0, n_iter, body, (z, z))

    @pl.when(i == 0)
    def _init():
        acc_o[...] = jnp.zeros_like(acc_o)
        acc_u[...] = jnp.zeros_like(acc_u)

    acc_o[...] += ao
    acc_u[...] += au

    @pl.when(i == pl.num_programs(0) - 1)
    def _fini():
        out_ref[0, 0] = jnp.sum(acc_o[...])
        out_ref[0, 1] = jnp.sum(acc_u[...])


def _tc_partials(x2d, n_blocks):
    return pl.pallas_call(
        _tc_body,
        grid=(n_blocks,),
        in_specs=[pl.BlockSpec((_BLOCK_ROWS, _LANES), lambda i: (i, 0))],
        out_specs=pl.BlockSpec(
            (1, 2), lambda i: (0, 0), memory_space=pltpu.SMEM
        ),
        out_shape=jax.ShapeDtypeStruct((1, 2), jnp.float32),
        scratch_shapes=[
            pltpu.VMEM((_CH, _LANES), jnp.float32),
            pltpu.VMEM((_CH, _LANES), jnp.float32),
        ],
        compiler_params=pltpu.CompilerParams(
            dimension_semantics=("arbitrary",),
        ),
    )(x2d)


def _sc_accumulate(buf, carry_in):
    def body(r, carry):
        a0, b0, a1, b1 = carry
        for c in range(_LANES // _L):
            x = buf[r, pl.ds(c * _L, _L)]
            t = x - 1.0
            o = jnp.maximum(t, 0.0)
            u = jnp.minimum(x, 0.0)
            if c % 2 == 0:
                a0 = a0 + o * o
                b0 = b0 + u * u
            else:
                a1 = a1 + o * o
                b1 = b1 + u * u
        return a0, b0, a1, b1

    return lax.fori_loop(0, _BUF_ROWS, body, carry_in)


def _sc_partials(x2d, start_row, n_rows):
    chunk = n_rows // _NW
    npieces = chunk // _BUF_ROWS
    assert n_rows % _NW == 0 and chunk % _BUF_ROWS == 0 and npieces % 2 == 0

    mesh = plsc.VectorSubcoreMesh(core_axis_name="c", subcore_axis_name="s")

    @functools.partial(
        pl.kernel,
        mesh=mesh,
        out_type=(
            jax.ShapeDtypeStruct((_NW, _L), jnp.float32),
            jax.ShapeDtypeStruct((_NW, _L), jnp.float32),
        ),
        scratch_types=[
            pltpu.VMEM((_BUF_ROWS, _LANES), jnp.float32),
            pltpu.VMEM((_BUF_ROWS, _LANES), jnp.float32),
            pltpu.VMEM((_L,), jnp.float32),
            pltpu.VMEM((_L,), jnp.float32),
            pltpu.SemaphoreType.DMA,
            pltpu.SemaphoreType.DMA,
        ],
        compiler_params=pltpu.CompilerParams(use_tc_tiling_on_sc=True),
    )
    def sc_kernel(x_hbm, out_o, out_u, buf0, buf1, vo, vu, sem0, sem1):
        wid = lax.axis_index("s") * _NC + lax.axis_index("c")
        base = start_row + wid * chunk
        last = npieces - 1

        pltpu.async_copy(x_hbm.at[pl.ds(base, _BUF_ROWS)], buf0, sem0)
        pltpu.async_copy(
            x_hbm.at[pl.ds(base + _BUF_ROWS, _BUF_ROWS)], buf1, sem1)

        def outer(q, carry):
            pltpu.make_async_copy(
                x_hbm.at[pl.ds(base, _BUF_ROWS)], buf0, sem0).wait()
            carry = _sc_accumulate(buf0, carry)
            p0 = jnp.minimum(2 * q + 2, last) * _BUF_ROWS
            pltpu.async_copy(x_hbm.at[pl.ds(base + p0, _BUF_ROWS)], buf0, sem0)

            pltpu.make_async_copy(
                x_hbm.at[pl.ds(base, _BUF_ROWS)], buf1, sem1).wait()
            carry = _sc_accumulate(buf1, carry)
            p1 = jnp.minimum(2 * q + 3, last) * _BUF_ROWS
            pltpu.async_copy(x_hbm.at[pl.ds(base + p1, _BUF_ROWS)], buf1, sem1)
            return carry

        z = jnp.zeros((_L,), jnp.float32)
        ao0, au0, ao1, au1 = lax.fori_loop(
            0, npieces // 2, outer, (z, z, z, z))

        pltpu.make_async_copy(
            x_hbm.at[pl.ds(base, _BUF_ROWS)], buf0, sem0).wait()
        pltpu.make_async_copy(
            x_hbm.at[pl.ds(base, _BUF_ROWS)], buf1, sem1).wait()

        vo[...] = ao0 + ao1
        vu[...] = au0 + au1
        pltpu.sync_copy(vo, out_o.at[wid])
        pltpu.sync_copy(vu, out_u.at[wid])

    return sc_kernel(x2d)


def kernel(tensor):
    x2d = tensor.reshape(_ROWS, _LANES)
    tc_rows = _TC_BLOCKS * _BLOCK_ROWS

    sc_o, sc_u = _sc_partials(x2d, tc_rows, _ROWS - tc_rows)
    tc = _tc_partials(x2d, _TC_BLOCKS)

    s_o = tc[0, 0] + jnp.sum(sc_o)
    s_u = tc[0, 1] + jnp.sum(sc_u)
    return jnp.sqrt(s_o) + jnp.sqrt(s_u)

# --- scband reference (transcript-rebuilt; emitter-appended) ---
"""Pipeline reference for scband-image-norm-12859132084350 (READ-ONLY COPY).

The authoritative reference and input builder live on the scoring server;
editing this copy changes nothing except your own understanding.
"""

import jax, jax.numpy as jnp
import numpy as np


def setup_inputs(seed: int = 0) -> dict:
    key = jax.random.key(seed)
    tensor = jax.random.normal(key, (4, 96, 384, 384), dtype=jnp.float32)
    return {"tensor": tensor}


def reference(tensor):
    # torch.norm(tensor[tensor > 1] - 1, 2): L2 norm over elements > 1, shifted by 1.
    # Boolean masking is dynamic-shape in JAX, so express as masked sum of squares,
    # which is mathematically identical (unselected elements contribute 0).
    over = jnp.where(tensor > 1, tensor - 1.0, 0.0)
    under = jnp.where(tensor < 0, tensor, 0.0)
    norm_over = jnp.sqrt(jnp.sum(over * over))
    norm_under = jnp.sqrt(jnp.sum(under * under))
    return norm_over + norm_under

if __name__ == "__main__":
    import jax
    _d = setup_inputs()
    print(jax.jit(kernel)(*tuple(_d.values())))

</pallas_src>

<mosaic_0001>
#map = affine_map<(d0, d1) -> (0, 0)>
module attributes {stable_mosaic.version = 14 : i64} {
  func.func @sc_kernel(%arg0: i32, %arg1: i32, %arg2: memref<147456x384xf32, #tpu.memory_space<hbm>>, %arg3: memref<32x16xf32, #tpu.memory_space<hbm>>, %arg4: memref<32x16xf32, #tpu.memory_space<hbm>>, %arg5: memref<128x384xf32, #tpu.memory_space<vmem>>, %arg6: memref<128x384xf32, #tpu.memory_space<vmem>>, %arg7: memref<16xf32, #tpu.memory_space<vmem>>, %arg8: memref<16xf32, #tpu.memory_space<vmem>>, %arg9: memref<!tpu.dma_semaphore, #tpu.memory_space<semaphore_mem>>, %arg10: memref<!tpu.dma_semaphore, #tpu.memory_space<semaphore_mem>>) attributes {dimension_semantics = [#tpu.dimension_semantics<core_parallel>, #tpu.dimension_semantics<subcore_parallel>], iteration_bounds = array<i64: 2, 16>, scalar_prefetch = 0 : i64, scratch_operands = 6 : i64, tpu.core_type = #tpu.core_type<sc_vector_subcore>, window_params = [{transform_indices = #map}, {transform_indices = #map}, {transform_indices = #map}]} {
    %mul3A = arith.constant 2 : i32
    %mul3A_0 = arith.muli %arg1, %mul3A : i32
    %add3A = arith.addi %mul3A_0, %arg0 : i32
    %mul3A_1 = arith.constant 512 : i32
    %mul3A_2 = arith.muli %add3A, %mul3A_1 : i32
    %add3A_3 = arith.constant 131072 : i32
    %add3A_4 = arith.addi %add3A_3, %mul3A_2 : i32
    %dma_start3A = arith.constant 0 : i32
    %dma_start3A_5 = tpu.memref_slice %arg2[%add3A_4, %dma_start3A] : memref<147456x384xf32, #tpu.memory_space<hbm>> -> memref<128x384xf32, #tpu.memory_space<hbm>>
    %dma_start3A_6 = arith.constant 0 : i32
    %dma_start3A_7 = tpu.memref_slice %arg2[%add3A_4, %dma_start3A_6] : memref<147456x384xf32, #tpu.memory_space<hbm>> -> memref<128x384xf32, #tpu.memory_space<hbm>>
    tpu.enqueue_dma source(%dma_start3A_7 : memref<128x384xf32, #tpu.memory_space<hbm>>) target(%arg5 : memref<128x384xf32, #tpu.memory_space<vmem>>) target_semaphore(%arg9 : memref<!tpu.dma_semaphore, #tpu.memory_space<semaphore_mem>>)
    %add3A_8 = arith.constant 128 : i32
    %add3A_9 = arith.addi %add3A_4, %add3A_8 : i32
    %dma_start3A_10 = arith.constant 0 : i32
    %dma_start3A_11 = tpu.memref_slice %arg2[%add3A_9, %dma_start3A_10] : memref<147456x384xf32, #tpu.memory_space<hbm>> -> memref<128x384xf32, #tpu.memory_space<hbm>>
    %dma_start3A_12 = arith.constant 0 : i32
    %dma_start3A_13 = tpu.memref_slice %arg2[%add3A_9, %dma_start3A_12] : memref<147456x384xf32, #tpu.memory_space<hbm>> -> memref<128x384xf32, #tpu.memory_space<hbm>>
    tpu.enqueue_dma source(%dma_start3A_13 : memref<128x384xf32, #tpu.memory_space<hbm>>) target(%arg6 : memref<128x384xf32, #tpu.memory_space<vmem>>) target_semaphore(%arg10 : memref<!tpu.dma_semaphore, #tpu.memory_space<semaphore_mem>>)
    %broadcast_in_dim3A = arith.constant 0.000000e+00 : f32
    %broadcast_in_dim3A_14 = vector.broadcast %broadcast_in_dim3A : f32 to vector<16xf32>
    %scan3A = arith.constant 0 : i32
    %scan3A_15 = arith.constant 2 : i32
    %scan3A_16 = arith.addi %scan3A, %scan3A_15 : i32
    %scan3A_17 = arith.constant 1 : i32
    %scan3A_18:4 = scf.for %scan3A_36 = %scan3A to %scan3A_16 step %scan3A_17 iter_args(%scan3A_37 = %broadcast_in_dim3A_14, %scan3A_38 = %broadcast_in_dim3A_14, %scan3A_39 = %broadcast_in_dim3A_14, %scan3A_40 = %broadcast_in_dim3A_14) -> (vector<16xf32>, vector<16xf32>, vector<16xf32>, vector<16xf32>)  : i32 {
      %dma_wait3A_41 = arith.constant 0 : i32
      %dma_wait3A_42 = tpu.memref_slice %arg2[%add3A_4, %dma_wait3A_41] : memref<147456x384xf32, #tpu.memory_space<hbm>> -> memref<128x384xf32, #tpu.memory_space<hbm>>
      %dma_wait3A_43 = arith.constant 0 : i32
      %dma_wait3A_44 = tpu.memref_slice %arg2[%add3A_4, %dma_wait3A_43] : memref<147456x384xf32, #tpu.memory_space<hbm>> -> memref<128x384xf32, #tpu.memory_space<hbm>>
      tpu.wait_dma2 semaphore(%arg9 : memref<!tpu.dma_semaphore, #tpu.memory_space<semaphore_mem>>) src(%dma_wait3A_44 : memref<128x384xf32, #tpu.memory_space<hbm>>) dst(%arg5 : memref<128x384xf32, #tpu.memory_space<vmem>>)
      %scan3A_45 = arith.constant 0 : i32
      %scan3A_46 = arith.constant 128 : i32
      %scan3A_47 = arith.addi %scan3A_45, %scan3A_46 : i32
      %scan3A_48 = arith.constant 1 : i32
      %scan3A_49:4 = scf.for %scan3A_86 = %scan3A_45 to %scan3A_47 step %scan3A_48 iter_args(%scan3A_87 = %scan3A_37, %scan3A_88 = %scan3A_38, %scan3A_89 = %scan3A_39, %scan3A_90 = %scan3A_40) -> (vector<16xf32>, vector<16xf32>, vector<16xf32>, vector<16xf32>)  : i32 {
        %get3A = arith.index_cast %scan3A_86 : i32 to index
        %get3A_91 = arith.constant 0 : index
        %get3A_92 = tpu.vector_load %arg5[%get3A, %get3A_91] {strides = array<i32>} : memref<128x384xf32, #tpu.memory_space<vmem>>, vector<1x16xf32>,
        %get3A_93 = vector.shape_cast %get3A_92 : vector<1x16xf32> to vector<16xf32>
        %sub3A = arith.constant 1.000000e+00 : f32
        %sub3A_94 = vector.broadcast %sub3A : f32 to vector<16xf32>
        %sub3A_95 = arith.subf %get3A_93, %sub3A_94 : vector<16xf32>
        %max3A = arith.constant 0.000000e+00 : f32
        %max3A_96 = vector.broadcast %max3A : f32 to vector<16xf32>
        %max3A_97 = arith.maximumf %sub3A_95, %max3A_96 : vector<16xf32>
        %min3A_98 = arith.constant 0.000000e+00 : f32
        %min3A_99 = vector.broadcast %min3A_98 : f32 to vector<16xf32>
        %min3A_100 = arith.minimumf %get3A_93, %min3A_99 : vector<16xf32>
        %mul3A_101 = arith.mulf %max3A_97, %max3A_97 : vector<16xf32>
        %add3A_102 = arith.addf %scan3A_87, %mul3A_101 : vector<16xf32>
        %mul3A_103 = arith.mulf %min3A_100, %min3A_100 : vector<16xf32>
        %add3A_104 = arith.addf %scan3A_88, %mul3A_103 : vector<16xf32>
        %get3A_105 = arith.index_cast %scan3A_86 : i32 to index
        %get3A_106 = arith.constant 16 : index
        %get3A_107 = tpu.vector_load %arg5[%get3A_105, %get3A_106] {strides = array<i32>} : memref<128x384xf32, #tpu.memory_space<vmem>>, vector<1x16xf32>,
        %get3A_108 = vector.shape_cast %get3A_107 : vector<1x16xf32> to vector<16xf32>
        %sub3A_109 = arith.constant 1.000000e+00 : f32
        %sub3A_110 = vector.broadcast %sub3A_109 : f32 to vector<16xf32>
        %sub3A_111 = arith.subf %get3A_108, %sub3A_110 : vector<16xf32>
        %max3A_112 = arith.constant 0.000000e+00 : f32
        %max3A_113 = vector.broadcast %max3A_112 : f32 to vector<16xf32>
        %max3A_114 = arith.maximumf %sub3A_111, %max3A_113 : vector<16xf32>
        %min3A_115 = arith.constant 0.000000e+00 : f32
        %min3A_116 = vector.broadcast %min3A_115 : f32 to vector<16xf32>
        %min3A_117 = arith.minimumf %get3A_108, %min3A_116 : vector<16xf32>
        %mul3A_118 = arith.mulf %max3A_114, %max3A_114 : vector<16xf32>
        %add3A_119 = arith.addf %scan3A_89, %mul3A_118 : vector<16xf32>
        %mul3A_120 = arith.mulf %min3A_117, %min3A_117 : vector<16xf32>
        %add3A_121 = arith.addf %scan3A_90, %mul3A_120 : vector<16xf32>
        %get3A_122 = arith.index_cast %scan3A_86 : i32 to index
        %get3A_123 = arith.constant 32 : index
        %get3A_124 = tpu.vector_load %arg5[%get3A_122, %get3A_123] {strides = array<i32>} : memref<128x384xf32, #tpu.memory_space<vmem>>, vector<1x16xf32>,
        %get3A_125 = vector.shape_cast %get3A_124 : vector<1x16xf32> to vector<16xf32>
        %sub3A_126 = arith.constant 1.000000e+00 : f32
        %sub3A_127 = vector.broadcast %sub3A_126 : f32 to vector<16xf32>
        %sub3A_128 = arith.subf %get3A_125, %sub3A_127 : vector<16xf32>
        %max3A_129 = arith.constant 0.000000e+00 : f32
        %max3A_130 = vector.broadcast %max3A_129 : f32 to vector<16xf32>
        %max3A_131 = arith.maximumf %sub3A_128, %max3A_130 : vector<16xf32>
        %min3A_132 = arith.constant 0.000000e+00 : f32
        %min3A_133 = vector.broadcast %min3A_132 : f32 to vector<16xf32>
        %min3A_134 = arith.minimumf %get3A_125, %min3A_133 : vector<16xf32>
        %mul3A_135 = arith.mulf %max3A_131, %max3A_131 : vector<16xf32>
        %add3A_136 = arith.addf %add3A_102, %mul3A_135 : vector<16xf32>
        %mul3A_137 = arith.mulf %min3A_134, %min3A_134 : vector<16xf32>
        %add3A_138 = arith.addf %add3A_104, %mul3A_137 : vector<16xf32>
        %get3A_139 = arith.index_cast %scan3A_86 : i32 to index
        %get3A_140 = arith.constant 48 : index
        %get3A_141 = tpu.vector_load %arg5[%get3A_139, %get3A_140] {strides = array<i32>} : memref<128x384xf32, #tpu.memory_space<vmem>>, vector<1x16xf32>,
        %get3A_142 = vector.shape_cast %get3A_141 : vector<1x16xf32> to vector<16xf32>
        %sub3A_143 = arith.constant 1.000000e+00 : f32
        %sub3A_144 = vector.broadcast %sub3A_143 : f32 to vector<16xf32>
        %sub3A_145 = arith.subf %get3A_142, %sub3A_144 : vector<16xf32>
        %max3A_146 = arith.constant 0.000000e+00 : f32
        %max3A_147 = vector.broadcast %max3A_146 : f32 to vector<16xf32>
        %max3A_148 = arith.maximumf %sub3A_145, %max3A_147 : vector<16xf32>
        %min3A_149 = arith.constant 0.000000e+00 : f32
        %min3A_150 = vector.broadcast %min3A_149 : f32 to vector<16xf32>
        %min3A_151 = arith.minimumf %get3A_142, %min3A_150 : vector<16xf32>
        %mul3A_152 = arith.mulf %max3A_148, %max3A_148 : vector<16xf32>
        %add3A_153 = arith.addf %add3A_119, %mul3A_152 : vector<16xf32>
        %mul3A_154 = arith.mulf %min3A_151, %min3A_151 : vector<16xf32>
        %add3A_155 = arith.addf %add3A_121, %mul3A_154 : vector<16xf32>
        %get3A_156 = arith.index_cast %scan3A_86 : i32 to index
        %get3A_157 = arith.constant 64 : index
        %get3A_158 = tpu.vector_load %arg5[%get3A_156, %get3A_157] {strides = array<i32>} : memref<128x384xf32, #tpu.memory_space<vmem>>, vector<1x16xf32>,
        %get3A_159 = vector.shape_cast %get3A_158 : vector<1x16xf32> to vector<16xf32>
        %sub3A_160 = arith.constant 1.000000e+00 : f32
        %sub3A_161 = vector.broadcast %sub3A_160 : f32 to vector<16xf32>
        %sub3A_162 = arith.subf %get3A_159, %sub3A_161 : vector<16xf32>
        %max3A_163 = arith.constant 0.000000e+00 : f32
        %max3A_164 = vector.broadcast %max3A_163 : f32 to vector<16xf32>
        %max3A_165 = arith.maximumf %sub3A_162, %max3A_164 : vector<16xf32>
        %min3A_166 = arith.constant 0.000000e+00 : f32
        %min3A_167 = vector.broadcast %min3A_166 : f32 to vector<16xf32>
        %min3A_168 = arith.minimumf %get3A_159, %min3A_167 : vector<16xf32>
        %mul3A_169 = arith.mulf %max3A_165, %max3A_165 : vector<16xf32>
        %add3A_170 = arith.addf %add3A_136, %mul3A_169 : vector<16xf32>
        %mul3A_171 = arith.mulf %min3A_168, %min3A_168 : vector<16xf32>
        %add3A_172 = arith.addf %add3A_138, %mul3A_171 : vector<16xf32>
        %get3A_173 = arith.index_cast %scan3A_86 : i32 to index
        %get3A_174 = arith.constant 80 : index
        %get3A_175 = tpu.vector_load %arg5[%get3A_173, %get3A_174] {strides = array<i32>} : memref<128x384xf32, #tpu.memory_space<vmem>>, vector<1x16xf32>,
        %get3A_176 = vector.shape_cast %get3A_175 : vector<1x16xf32> to vector<16xf32>
        %sub3A_177 = arith.constant 1.000000e+00 : f32
        %sub3A_178 = vector.broadcast %sub3A_177 : f32 to vector<16xf32>
        %sub3A_179 = arith.subf %get3A_176, %sub3A_178 : vector<16xf32>
        %max3A_180 = arith.constant 0.000000e+00 : f32
        %max3A_181 = vector.broadcast %max3A_180 : f32 to vector<16xf32>
        %max3A_182 = arith.maximumf %sub3A_179, %max3A_181 : vector<16xf32>
        %min3A_183 = arith.constant 0.000000e+00 : f32
        %min3A_184 = vector.broadcast %min3A_183 : f32 to vector<16xf32>
        %min3A_185 = arith.minimumf %get3A_176, %min3A_184 : vector<16xf32>
        %mul3A_186 = arith.mulf %max3A_182, %max3A_182 : vector<16xf32>
        %add3A_187 = arith.addf %add3A_153, %mul3A_186 : vector<16xf32>
        %mul3A_188 = arith.mulf %min3A_185, %min3A_185 : vector<16xf32>
        %add3A_189 = arith.addf %add3A_155, %mul3A_188 : vector<16xf32>
        %get3A_190 = arith.index_cast %scan3A_86 : i32 to index
        %get3A_191 = arith.constant 96 : index
        %get3A_192 = tpu.vector_load %arg5[%get3A_190, %get3A_191] {strides = array<i32>} : memref<128x384xf32, #tpu.memory_space<vmem>>, vector<1x16xf32>,
        %get3A_193 = vector.shape_cast %get3A_192 : vector<1x16xf32> to vector<16xf32>
        %sub3A_194 = arith.constant 1.000000e+00 : f32
        %sub3A_195 = vector.broadcast %sub3A_194 : f32 to vector<16xf32>
        %sub3A_196 = arith.subf %get3A_193, %sub3A_195 : vector<16xf32>
        %max3A_197 = arith.constant 0.000000e+00 : f32
        %max3A_198 = vector.broadcast %max3A_197 : f32 to vector<16xf32>
        %max3A_199 = arith.maximumf %sub3A_196, %max3A_198 : vector<16xf32>
        %min3A_200 = arith.constant 0.000000e+00 : f32
        %min3A_201 = vector.broadcast %min3A_200 : f32 to vector<16xf32>
        %min3A_202 = arith.minimumf %get3A_193, %min3A_201 : vector<16xf32>
        %mul3A_203 = arith.mulf %max3A_199, %max3A_199 : vector<16xf32>
        %add3A_204 = arith.addf %add3A_170, %mul3A_203 : vector<16xf32>
        %mul3A_205 = arith.mulf %min3A_202, %min3A_202 : vector<16xf32>
        %add3A_206 = arith.addf %add3A_172, %mul3A_205 : vector<16xf32>
        %get3A_207 = arith.index_cast %scan3A_86 : i32 to index
        %get3A_208 = arith.constant 112 : index
        %get3A_209 = tpu.vector_load %arg5[%get3A_207, %get3A_208] {strides = array<i32>} : memref<128x384xf32, #tpu.memory_space<vmem>>, vector<1x16xf32>,
        %get3A_210 = vector.shape_cast %get3A_209 : vector<1x16xf32> to vector<16xf32>
        %sub3A_211 = arith.constant 1.000000e+00 : f32
        %sub3A_212 = vector.broadcast %sub3A_211 : f32 to vector<16xf32>
        %sub3A_213 = arith.subf %get3A_210, %sub3A_212 : vector<16xf32>
        %max3A_214 = arith.constant 0.000000e+00 : f32
        %max3A_215 = vector.broadcast %max3A_214 : f32 to vector<16xf32>
        %max3A_216 = arith.maximumf %sub3A_213, %max3A_215 : vector<16xf32>
        %min3A_217 = arith.constant 0.000000e+00 : f32
        %min3A_218 = vector.broadcast %min3A_217 : f32 to vector<16xf32>
        %min3A_219 = arith.minimumf %get3A_210, %min3A_218 : vector<16xf32>
        %mul3A_220 = arith.mulf %max3A_216, %max3A_216 : vector<16xf32>
        %add3A_221 = arith.addf %add3A_187, %mul3A_220 : vector<16xf32>
        %mul3A_222 = arith.mulf %min3A_219, %min3A_219 : vector<16xf32>
        %add3A_223 = arith.addf %add3A_189, %mul3A_222 : vector<16xf32>
        %get3A_224 = arith.index_cast %scan3A_86 : i32 to index
        %get3A_225 = arith.constant 128 : index
        %get3A_226 = tpu.vector_load %arg5[%get3A_224, %get3A_225] {strides = array<i32>} : memref<128x384xf32, #tpu.memory_space<vmem>>, vector<1x16xf32>,
        %get3A_227 = vector.shape_cast %get3A_226 : vector<1x16xf32> to vector<16xf32>
        %sub3A_228 = arith.constant 1.000000e+00 : f32
        %sub3A_229 = vector.broadcast %sub3A_228 : f32 to vector<16xf32>
        %sub3A_230 = arith.subf %get3A_227, %sub3A_229 : vector<16xf32>
        %max3A_231 = arith.constant 0.000000e+00 : f32
        %max3A_232 = vector.broadcast %max3A_231 : f32 to vector<16xf32>
        %max3A_233 = arith.maximumf %sub3A_230, %max3A_232 : vector<16xf32>
        %min3A_234 = arith.constant 0.000000e+00 : f32
        %min3A_235 = vector.broadcast %min3A_234 : f32 to vector<16xf32>
        %min3A_236 = arith.minimumf %get3A_227, %min3A_235 : vector<16xf32>
        %mul3A_237 = arith.mulf %max3A_233, %max3A_233 : vector<16xf32>
        %add3A_238 = arith.addf %add3A_204, %mul3A_237 : vector<16xf32>
        %mul3A_239 = arith.mulf %min3A_236, %min3A_236 : vector<16xf32>
        %add3A_240 = arith.addf %add3A_206, %mul3A_239 : vector<16xf32>
        %get3A_241 = arith.index_cast %scan3A_86 : i32 to index
        %get3A_242 = arith.constant 144 : index
        %get3A_243 = tpu.vector_load %arg5[%get3A_241, %get3A_242] {strides = array<i32>} : memref<128x384xf32, #tpu.memory_space<vmem>>, vector<1x16xf32>,
        %get3A_244 = vector.shape_cast %get3A_243 : vector<1x16xf32> to vector<16xf32>
        %sub3A_245 = arith.constant 1.000000e+00 : f32
        %sub3A_246 = vector.broadcast %sub3A_245 : f32 to vector<16xf32>
        %sub3A_247 = arith.subf %get3A_244, %sub3A_246 : vector<16xf32>
        %max3A_248 = arith.constant 0.000000e+00 : f32
        %max3A_249 = vector.broadcast %max3A_248 : f32 to vector<16xf32>
        %max3A_250 = arith.maximumf %sub3A_247, %max3A_249 : vector<16xf32>
        %min3A_251 = arith.constant 0.000000e+00 : f32
        %min3A_252 = vector.broadcast %min3A_251 : f32 to vector<16xf32>
        %min3A_253 = arith.minimumf %get3A_244, %min3A_252 : vector<16xf32>
        %mul3A_254 = arith.mulf %max3A_250, %max3A_250 : vector<16xf32>
        %add3A_255 = arith.addf %add3A_221, %mul3A_254 : vector<16xf32>
        %mul3A_256 = arith.mulf %min3A_253, %min3A_253 : vector<16xf32>
        %add3A_257 = arith.addf %add3A_223, %mul3A_256 : vector<16xf32>
        %get3A_258 = arith.index_cast %scan3A_86 : i32 to index
        %get3A_259 = arith.constant 160 : index
        %get3A_260 = tpu.vector_load %arg5[%get3A_258, %get3A_259] {strides = array<i32>} : memref<128x384xf32, #tpu.memory_space<vmem>>, vector<1x16xf32>,
        %get3A_261 = vector.shape_cast %get3A_260 : vector<1x16xf32> to vector<16xf32>
        %sub3A_262 = arith.constant 1.000000e+00 : f32
        %sub3A_263 = vector.broadcast %sub3A_262 : f32 to vector<16xf32>
        %sub3A_264 = arith.subf %get3A_261, %sub3A_263 : vector<16xf32>
        %max3A_265 = arith.constant 0.000000e+00 : f32
        %max3A_266 = vector.broadcast %max3A_265 : f32 to vector<16xf32>
        %max3A_267 = arith.maximumf %sub3A_264, %max3A_266 : vector<16xf32>
        %min3A_268 = arith.constant 0.000000e+00 : f32
        %min3A_269 = vector.broadcast %min3A_268 : f32 to vector<16xf32>
        %min3A_270 = arith.minimumf %get3A_261, %min3A_269 : vector<16xf32>
        %mul3A_271 = arith.mulf %max3A_267, %max3A_267 : vector<16xf32>
        %add3A_272 = arith.addf %add3A_238, %mul3A_271 : vector<16xf32>
        %mul3A_273 = arith.mulf %min3A_270, %min3A_270 : vector<16xf32>
        %add3A_274 = arith.addf %add3A_240, %mul3A_273 : vector<16xf32>
        %get3A_275 = arith.index_cast %scan3A_86 : i32 to index
        %get3A_276 = arith.constant 176 : index
        %get3A_277 = tpu.vector_load %arg5[%get3A_275, %get3A_276] {strides = array<i32>} : memref<128x384xf32, #tpu.memory_space<vmem>>, vector<1x16xf32>,
        %get3A_278 = vector.shape_cast %get3A_277 : vector<1x16xf32> to vector<16xf32>
        %sub3A_279 = arith.constant 1.000000e+00 : f32
        %sub3A_280 = vector.broadcast %sub3A_279 : f32 to vector<16xf32>
        %sub3A_281 = arith.subf %get3A_278, %sub3A_280 : vector<16xf32>
        %max3A_282 = arith.constant 0.000000e+00 : f32
        %max3A_283 = vector.broadcast %max3A_282 : f32 to vector<16xf32>
        %max3A_284 = arith.maximumf %sub3A_281, %max3A_283 : vector<16xf32>
        %min3A_285 = arith.constant 0.000000e+00 : f32
        %min3A_286 = vector.broadcast %min3A_285 : f32 to vector<16xf32>
        %min3A_287 = arith.minimumf %get3A_278, %min3A_286 : vector<16xf32>
        %mul3A_288 = arith.mulf %max3A_284, %max3A_284 : vector<16xf32>
        %add3A_289 = arith.addf %add3A_255, %mul3A_288 : vector<16xf32>
        %mul3A_290 = arith.mulf %min3A_287, %min3A_287 : vector<16xf32>
        %add3A_291 = arith.addf %add3A_257, %mul3A_290 : vector<16xf32>
        %get3A_292 = arith.index_cast %scan3A_86 : i32 to index
        %get3A_293 = arith.constant 192 : index
        %get3A_294 = tpu.vector_load %arg5[%get3A_292, %get3A_293] {strides = array<i32>} : memref<128x384xf32, #tpu.memory_space<vmem>>, vector<1x16xf32>,
        %get3A_295 = vector.shape_cast %get3A_294 : vector<1x16xf32> to vector<16xf32>
        %sub3A_296 = arith.constant 1.000000e+00 : f32
        %sub3A_297 = vector.broadcast %sub3A_296 : f32 to vector<16xf32>
        %sub3A_298 = arith.subf %get3A_295, %sub3A_297 : vector<16xf32>
        %max3A_299 = arith.constant 0.000000e+00 : f32
        %max3A_300 = vector.broadcast %max3A_299 : f32 to vector<16xf32>
        %max3A_301 = arith.maximumf %sub3A_298, %max3A_300 : vector<16xf32>
        %min3A_302 = arith.constant 0.000000e+00 : f32
        %min3A_303 = vector.broadcast %min3A_302 : f32 to vector<16xf32>
        %min3A_304 = arith.minimumf %get3A_295, %min3A_303 : vector<16xf32>
        %mul3A_305 = arith.mulf %max3A_301, %max3A_301 : vector<16xf32>
        %add3A_306 = arith.addf %add3A_272, %mul3A_305 : vector<16xf32>
        %mul3A_307 = arith.mulf %min3A_304, %min3A_304 : vector<16xf32>
        %add3A_308 = arith.addf %add3A_274, %mul3A_307 : vector<16xf32>
        %get3A_309 = arith.index_cast %scan3A_86 : i32 to index
        %get3A_310 = arith.constant 208 : index
        %get3A_311 = tpu.vector_load %arg5[%get3A_309, %get3A_310] {strides = array<i32>} : memref<128x384xf32, #tpu.memory_space<vmem>>, vector<1x16xf32>,
        %get3A_312 = vector.shape_cast %get3A_311 : vector<1x16xf32> to vector<16xf32>
        %sub3A_313 = arith.constant 1.000000e+00 : f32
        %sub3A_314 = vector.broadcast %sub3A_313 : f32 to vector<16xf32>
        %sub3A_315 = arith.subf %get3A_312, %sub3A_314 : vector<16xf32>
        %max3A_316 = arith.constant 0.000000e+00 : f32
        %max3A_317 = vector.broadcast %max3A_316 : f32 to vector<16xf32>
        %max3A_318 = arith.maximumf %sub3A_315, %max3A_317 : vector<16xf32>
        %min3A_319 = arith.constant 0.000000e+00 : f32
        %min3A_320 = vector.broadcast %min3A_319 : f32 to vector<16xf32>
        %min3A_321 = arith.minimumf %get3A_312, %min3A_320 : vector<16xf32>
        %mul3A_322 = arith.mulf %max3A_318, %max3A_318 : vector<16xf32>
        %add3A_323 = arith.addf %add3A_289, %mul3A_322 : vector<16xf32>
        %mul3A_324 = arith.mulf %min3A_321, %min3A_321 : vector<16xf32>
        %add3A_325 = arith.addf %add3A_291, %mul3A_324 : vector<16xf32>
        %get3A_326 = arith.index_cast %scan3A_86 : i32 to index
        %get3A_327 = arith.constant 224 : index
        %get3A_328 = tpu.vector_load %arg5[%get3A_326, %get3A_327] {strides = array<i32>} : memref<128x384xf32, #tpu.memory_space<vmem>>, vector<1x16xf32>,
        %get3A_329 = vector.shape_cast %get3A_328 : vector<1x16xf32> to vector<16xf32>
        %sub3A_330 = arith.constant 1.000000e+00 : f32
        %sub3A_331 = vector.broadcast %sub3A_330 : f32 to vector<16xf32>
        %sub3A_332 = arith.subf %get3A_329, %sub3A_331 : vector<16xf32>
        %max3A_333 = arith.constant 0.000000e+00 : f32
        %max3A_334 = vector.broadcast %max3A_333 : f32 to vector<16xf32>
        %max3A_335 = arith.maximumf %sub3A_332, %max3A_334 : vector<16xf32>
        %min3A_336 = arith.constant 0.000000e+00 : f32
        %min3A_337 = vector.broadcast %min3A_336 : f32 to vector<16xf32>
        %min3A_338 = arith.minimumf %get3A_329, %min3A_337 : vector<16xf32>
        %mul3A_339 = arith.mulf %max3A_335, %max3A_335 : vector<16xf32>
        %add3A_340 = arith.addf %add3A_306, %mul3A_339 : vector<16xf32>
        %mul3A_341 = arith.mulf %min3A_338, %min3A_338 : vector<16xf32>
        %add3A_342 = arith.addf %add3A_308, %mul3A_341 : vector<16xf32>
        %get3A_343 = arith.index_cast %scan3A_86 : i32 to index
        %get3A_344 = arith.constant 240 : index
        %get3A_345 = tpu.vector_load %arg5[%get3A_343, %get3A_344] {strides = array<i32>} : memref<128x384xf32, #tpu.memory_space<vmem>>, vector<1x16xf32>,
        %get3A_346 = vector.shape_cast %get3A_345 : vector<1x16xf32> to vector<16xf32>
        %sub3A_347 = arith.constant 1.000000e+00 : f32
        %sub3A_348 = vector.broadcast %sub3A_347 : f32 to vector<16xf32>
        %sub3A_349 = arith.subf %get3A_346, %sub3A_348 : vector<16xf32>
        %max3A_350 = arith.constant 0.000000e+00 : f32
        %max3A_351 = vector.broadcast %max3A_350 : f32 to vector<16xf32>
        %max3A_352 = arith.maximumf %sub3A_349, %max3A_351 : vector<16xf32>
        %min3A_353 = arith.constant 0.000000e+00 : f32
        %min3A_354 = vector.broadcast %min3A_353 : f32 to vector<16xf32>
        %min3A_355 = arith.minimumf %get3A_346, %min3A_354 : vector<16xf32>
        %mul3A_356 = arith.mulf %max3A_352, %max3A_352 : vector<16xf32>
        %add3A_357 = arith.addf %add3A_323, %mul3A_356 : vector<16xf32>
        %mul3A_358 = arith.mulf %min3A_355, %min3A_355 : vector<16xf32>
        %add3A_359 = arith.addf %add3A_325, %mul3A_358 : vector<16xf32>
        %get3A_360 = arith.index_cast %scan3A_86 : i32 to index
        %get3A_361 = arith.constant 256 : index
        %get3A_362 = tpu.vector_load %arg5[%get3A_360, %get3A_361] {strides = array<i32>} : memref<128x384xf32, #tpu.memory_space<vmem>>, vector<1x16xf32>,
        %get3A_363 = vector.shape_cast %get3A_362 : vector<1x16xf32> to vector<16xf32>
        %sub3A_364 = arith.constant 1.000000e+00 : f32
        %sub3A_365 = vector.broadcast %sub3A_364 : f32 to vector<16xf32>
        %sub3A_366 = arith.subf %get3A_363, %sub3A_365 : vector<16xf32>
        %max3A_367 = arith.constant 0.000000e+00 : f32
        %max3A_368 = vector.broadcast %max3A_367 : f32 to vector<16xf32>
        %max3A_369 = arith.maximumf %sub3A_366, %max3A_368 : vector<16xf32>
        %min3A_370 = arith.constant 0.000000e+00 : f32
        %min3A_371 = vector.broadcast %min3A_370 : f32 to vector<16xf32>
        %min3A_372 = arith.minimumf %get3A_363, %min3A_371 : vector<16xf32>
        %mul3A_373 = arith.mulf %max3A_369, %max3A_369 : vector<16xf32>
        %add3A_374 = arith.addf %add3A_340, %mul3A_373 : vector<16xf32>
        %mul3A_375 = arith.mulf %min3A_372, %min3A_372 : vector<16xf32>
        %add3A_376 = arith.addf %add3A_342, %mul3A_375 : vector<16xf32>
        %get3A_377 = arith.index_cast %scan3A_86 : i32 to index
        %get3A_378 = arith.constant 272 : index
        %get3A_379 = tpu.vector_load %arg5[%get3A_377, %get3A_378] {strides = array<i32>} : memref<128x384xf32, #tpu.memory_space<vmem>>, vector<1x16xf32>,
        %get3A_380 = vector.shape_cast %get3A_379 : vector<1x16xf32> to vector<16xf32>
        %sub3A_381 = arith.constant 1.000000e+00 : f32
        %sub3A_382 = vector.broadcast %sub3A_381 : f32 to vector<16xf32>
        %sub3A_383 = arith.subf %get3A_380, %sub3A_382 : vector<16xf32>
        %max3A_384 = arith.constant 0.000000e+00 : f32
        %max3A_385 = vector.broadcast %max3A_384 : f32 to vector<16xf32>
        %max3A_386 = arith.maximumf %sub3A_383, %max3A_385 : vector<16xf32>
        %min3A_387 = arith.constant 0.000000e+00 : f32
        %min3A_388 = vector.broadcast %min3A_387 : f32 to vector<16xf32>
        %min3A_389 = arith.minimumf %get3A_380, %min3A_388 : vector<16xf32>
        %mul3A_390 = arith.mulf %max3A_386, %max3A_386 : vector<16xf32>
        %add3A_391 = arith.addf %add3A_357, %mul3A_390 : vector<16xf32>
        %mul3A_392 = arith.mulf %min3A_389, %min3A_389 : vector<16xf32>
        %add3A_393 = arith.addf %add3A_359, %mul3A_392 : vector<16xf32>
        %get3A_394 = arith.index_cast %scan3A_86 : i32 to index
        %get3A_395 = arith.constant 288 : index
        %get3A_396 = tpu.vector_load %arg5[%get3A_394, %get3A_395] {strides = array<i32>} : memref<128x384xf32, #tpu.memory_space<vmem>>, vector<1x16xf32>,
        %get3A_397 = vector.shape_cast %get3A_396 : vector<1x16xf32> to vector<16xf32>
        %sub3A_398 = arith.constant 1.000000e+00 : f32
        %sub3A_399 = vector.broadcast %sub3A_398 : f32 to vector<16xf32>
        %sub3A_400 = arith.subf %get3A_397, %sub3A_399 : vector<16xf32>
        %max3A_401 = arith.constant 0.000000e+00 : f32
        %max3A_402 = vector.broadcast %max3A_401 : f32 to vector<16xf32>
        %max3A_403 = arith.maximumf %sub3A_400, %max3A_402 : vector<16xf32>
        %min3A_404 = arith.constant 0.000000e+00 : f32
        %min3A_405 = vector.broadcast %min3A_404 : f32 to vector<16xf32>
        %min3A_406 = arith.minimumf %get3A_397, %min3A_405 : vector<16xf32>
        %mul3A_407 = arith.mulf %max3A_403, %max3A_403 : vector<16xf32>
        %add3A_408 = arith.addf %add3A_374, %mul3A_407 : vector<16xf32>
        %mul3A_409 = arith.mulf %min3A_406, %min3A_406 : vector<16xf32>
        %add3A_410 = arith.addf %add3A_376, %mul3A_409 : vector<16xf32>
        %get3A_411 = arith.index_cast %scan3A_86 : i32 to index
        %get3A_412 = arith.constant 304 : index
        %get3A_413 = tpu.vector_load %arg5[%get3A_411, %get3A_412] {strides = array<i32>} : memref<128x384xf32, #tpu.memory_space<vmem>>, vector<1x16xf32>,
        %get3A_414 = vector.shape_cast %get3A_413 : vector<1x16xf32> to vector<16xf32>
        %sub3A_415 = arith.constant 1.000000e+00 : f32
        %sub3A_416 = vector.broadcast %sub3A_415 : f32 to vector<16xf32>
        %sub3A_417 = arith.subf %get3A_414, %sub3A_416 : vector<16xf32>
        %max3A_418 = arith.constant 0.000000e+00 : f32
        %max3A_419 = vector.broadcast %max3A_418 : f32 to vector<16xf32>
        %max3A_420 = arith.maximumf %sub3A_417, %max3A_419 : vector<16xf32>
        %min3A_421 = arith.constant 0.000000e+00 : f32
        %min3A_422 = vector.broadcast %min3A_421 : f32 to vector<16xf32>
        %min3A_423 = arith.minimumf %get3A_414, %min3A_422 : vector<16xf32>
        %mul3A_424 = arith.mulf %max3A_420, %max3A_420 : vector<16xf32>
        %add3A_425 = arith.addf %add3A_391, %mul3A_424 : vector<16xf32>
        %mul3A_426 = arith.mulf %min3A_423, %min3A_423 : vector<16xf32>
        %add3A_427 = arith.addf %add3A_393, %mul3A_426 : vector<16xf32>
        %get3A_428 = arith.index_cast %scan3A_86 : i32 to index
        %get3A_429 = arith.constant 320 : index
        %get3A_430 = tpu.vector_load %arg5[%get3A_428, %get3A_429] {strides = array<i32>} : memref<128x384xf32, #tpu.memory_space<vmem>>, vector<1x16xf32>,
        %get3A_431 = vector.shape_cast %get3A_430 : vector<1x16xf32> to vector<16xf32>
        %sub3A_432 = arith.constant 1.000000e+00 : f32
        %sub3A_433 = vector.broadcast %sub3A_432 : f32 to vector<16xf32>
        %sub3A_434 = arith.subf %get3A_431, %sub3A_433 : vector<16xf32>
        %max3A_435 = arith.constant 0.000000e+00 : f32
        %max3A_436 = vector.broadcast %max3A_435 : f32 to vector<16xf32>
        %max3A_437 = arith.maximumf %sub3A_434, %max3A_436 : vector<16xf32>
        %min3A_438 = arith.constant 0.000000e+00 : f32
        %min3A_439 = vector.broadcast %min3A_438 : f32 to vector<16xf32>
        %min3A_440 = arith.minimumf %get3A_431, %min3A_439 : vector<16xf32>
        %mul3A_441 = arith.mulf %max3A_437, %max3A_437 : vector<16xf32>
        %add3A_442 = arith.addf %add3A_408, %mul3A_441 : vector<16xf32>
        %mul3A_443 = arith.mulf %min3A_440, %min3A_440 : vector<16xf32>
        %add3A_444 = arith.addf %add3A_410, %mul3A_443 : vector<16xf32>
        %get3A_445 = arith.index_cast %scan3A_86 : i32 to index
        %get3A_446 = arith.constant 336 : index
        %get3A_447 = tpu.vector_load %arg5[%get3A_445, %get3A_446] {strides = array<i32>} : memref<128x384xf32, #tpu.memory_space<vmem>>, vector<1x16xf32>,
        %get3A_448 = vector.shape_cast %get3A_447 : vector<1x16xf32> to vector<16xf32>
        %sub3A_449 = arith.constant 1.000000e+00 : f32
        %sub3A_450 = vector.broadcast %sub3A_449 : f32 to vector<16xf32>
        %sub3A_451 = arith.subf %get3A_448, %sub3A_450 : vector<16xf32>
        %max3A_452 = arith.constant 0.000000e+00 : f32
        %max3A_453 = vector.broadcast %max3A_452 : f32 to vector<16xf32>
        %max3A_454 = arith.maximumf %sub3A_451, %max3A_453 : vector<16xf32>
        %min3A_455 = arith.constant 0.000000e+00 : f32
        %min3A_456 = vector.broadcast %min3A_455 : f32 to vector<16xf32>
        %min3A_457 = arith.minimumf %get3A_448, %min3A_456 : vector<16xf32>
        %mul3A_458 = arith.mulf %max3A_454, %max3A_454 : vector<16xf32>
        %add3A_459 = arith.addf %add3A_425, %mul3A_458 : vector<16xf32>
        %mul3A_460 = arith.mulf %min3A_457, %min3A_457 : vector<16xf32>
        %add3A_461 = arith.addf %add3A_427, %mul3A_460 : vector<16xf32>
        %get3A_462 = arith.index_cast %scan3A_86 : i32 to index
        %get3A_463 = arith.constant 352 : index
        %get3A_464 = tpu.vector_load %arg5[%get3A_462, %get3A_463] {strides = array<i32>} : memref<128x384xf32, #tpu.memory_space<vmem>>, vector<1x16xf32>,
        %get3A_465 = vector.shape_cast %get3A_464 : vector<1x16xf32> to vector<16xf32>
        %sub3A_466 = arith.constant 1.000000e+00 : f32
        %sub3A_467 = vector.broadcast %sub3A_466 : f32 to vector<16xf32>
        %sub3A_468 = arith.subf %get3A_465, %sub3A_467 : vector<16xf32>
        %max3A_469 = arith.constant 0.000000e+00 : f32
        %max3A_470 = vector.broadcast %max3A_469 : f32 to vector<16xf32>
        %max3A_471 = arith.maximumf %sub3A_468, %max3A_470 : vector<16xf32>
        %min3A_472 = arith.constant 0.000000e+00 : f32
        %min3A_473 = vector.broadcast %min3A_472 : f32 to vector<16xf32>
        %min3A_474 = arith.minimumf %get3A_465, %min3A_473 : vector<16xf32>
        %mul3A_475 = arith.mulf %max3A_471, %max3A_471 : vector<16xf32>
        %add3A_476 = arith.addf %add3A_442, %mul3A_475 : vector<16xf32>
        %mul3A_477 = arith.mulf %min3A_474, %min3A_474 : vector<16xf32>
        %add3A_478 = arith.addf %add3A_444, %mul3A_477 : vector<16xf32>
        %get3A_479 = arith.index_cast %scan3A_86 : i32 to index
        %get3A_480 = arith.constant 368 : index
        %get3A_481 = tpu.vector_load %arg5[%get3A_479, %get3A_480] {strides = array<i32>} : memref<128x384xf32, #tpu.memory_space<vmem>>, vector<1x16xf32>,
        %get3A_482 = vector.shape_cast %get3A_481 : vector<1x16xf32> to vector<16xf32>
        %sub3A_483 = arith.constant 1.000000e+00 : f32
        %sub3A_484 = vector.broadcast %sub3A_483 : f32 to vector<16xf32>
        %sub3A_485 = arith.subf %get3A_482, %sub3A_484 : vector<16xf32>
        %max3A_486 = arith.constant 0.000000e+00 : f32
        %max3A_487 = vector.broadcast %max3A_486 : f32 to vector<16xf32>
        %max3A_488 = arith.maximumf %sub3A_485, %max3A_487 : vector<16xf32>
        %min3A_489 = arith.constant 0.000000e+00 : f32
        %min3A_490 = vector.broadcast %min3A_489 : f32 to vector<16xf32>
        %min3A_491 = arith.minimumf %get3A_482, %min3A_490 : vector<16xf32>
        %mul3A_492 = arith.mulf %max3A_488, %max3A_488 : vector<16xf32>
        %add3A_493 = arith.addf %add3A_459, %mul3A_492 : vector<16xf32>
        %mul3A_494 = arith.mulf %min3A_491, %min3A_491 : vector<16xf32>
        %add3A_495 = arith.addf %add3A_461, %mul3A_494 : vector<16xf32>
        scf.yield %add3A_476, %add3A_478, %add3A_493, %add3A_495 : vector<16xf32>, vector<16xf32>, vector<16xf32>, vector<16xf32>
      }
      %scan3A_50 = arith.constant 128 : i32
      %mul3A_51 = arith.constant 2 : i32
      %mul3A_52 = arith.muli %mul3A_51, %scan3A_36 : i32
      %add3A_53 = arith.constant 2 : i32
      %add3A_54 = arith.addi %mul3A_52, %add3A_53 : i32
      %min3A = arith.constant 3 : i32
      %min3A_55 = arith.minsi %add3A_54, %min3A : i32
      %mul3A_56 = arith.constant 128 : i32
      %mul3A_57 = arith.muli %min3A_55, %mul3A_56 : i32
      %add3A_58 = arith.addi %add3A_4, %mul3A_57 : i32
      %dma_start3A_59 = arith.constant 0 : i32
      %dma_start3A_60 = tpu.memref_slice %arg2[%add3A_58, %dma_start3A_59] : memref<147456x384xf32, #tpu.memory_space<hbm>> -> memref<128x384xf32, #tpu.memory_space<hbm>>
      %dma_start3A_61 = arith.constant 0 : i32
      %dma_start3A_62 = tpu.memref_slice %arg2[%add3A_58, %dma_start3A_61] : memref<147456x384xf32, #tpu.memory_space<hbm>> -> memref<128x384xf32, #tpu.memory_space<hbm>>
      tpu.enqueue_dma source(%dma_start3A_62 : memref<128x384xf32, #tpu.memory_space<hbm>>) target(%arg5 : memref<128x384xf32, #tpu.memory_space<vmem>>) target_semaphore(%arg9 : memref<!tpu.dma_semaphore, #tpu.memory_space<semaphore_mem>>)
      %dma_wait3A_63 = arith.constant 0 : i32
      %dma_wait3A_64 = tpu.memref_slice %arg2[%add3A_4, %dma_wait3A_63] : memref<147456x384xf32, #tpu.memory_space<hbm>> -> memref<128x384xf32, #tpu.memory_space<hbm>>
      %dma_wait3A_65 = arith.constant 0 : i32
      %dma_wait3A_66 = tpu.memref_slice %arg2[%add3A_4, %dma_wait3A_65] : memref<147456x384xf32, #tpu.memory_space<hbm>> -> memref<128x384xf32, #tpu.memory_space<hbm>>
      tpu.wait_dma2 semaphore(%arg10 : memref<!tpu.dma_semaphore, #tpu.memory_space<semaphore_mem>>) src(%dma_wait3A_66 : memref<128x384xf32, #tpu.memory_space<hbm>>) dst(%arg6 : memref<128x384xf32, #tpu.memory_space<vmem>>)
      %scan3A_67 = arith.constant 0 : i32
      %scan3A_68 = arith.constant 128 : i32
      %scan3A_69 = arith.addi %scan3A_67, %scan3A_68 : i32
      %scan3A_70 = arith.constant 1 : i32
      %scan3A_71:4 = scf.for %scan3A_86 = %scan3A_67 to %scan3A_69 step %scan3A_70 iter_args(%scan3A_87 = %scan3A_49#0, %scan3A_88 = %scan3A_49#1, %scan3A_89 = %scan3A_49#2, %scan3A_90 = %scan3A_49#3) -> (vector<16xf32>, vector<16xf32>, vector<16xf32>, vector<16xf32>)  : i32 {
        %get3A = arith.index_cast %scan3A_86 : i32 to index
        %get3A_91 = arith.constant 0 : index
        %get3A_92 = tpu.vector_load %arg6[%get3A, %get3A_91] {strides = array<i32>} : memref<128x384xf32, #tpu.memory_space<vmem>>, vector<1x16xf32>,
        %get3A_93 = vector.shape_cast %get3A_92 : vector<1x16xf32> to vector<16xf32>
        %sub3A = arith.constant 1.000000e+00 : f32
        %sub3A_94 = vector.broadcast %sub3A : f32 to vector<16xf32>
        %sub3A_95 = arith.subf %get3A_93, %sub3A_94 : vector<16xf32>
        %max3A = arith.constant 0.000000e+00 : f32
        %max3A_96 = vector.broadcast %max3A : f32 to vector<16xf32>
        %max3A_97 = arith.maximumf %sub3A_95, %max3A_96 : vector<16xf32>
        %min3A_98 = arith.constant 0.000000e+00 : f32
        %min3A_99 = vector.broadcast %min3A_98 : f32 to vector<16xf32>
        %min3A_100 = arith.minimumf %get3A_93, %min3A_99 : vector<16xf32>
        %mul3A_101 = arith.mulf %max3A_97, %max3A_97 : vector<16xf32>
        %add3A_102 = arith.addf %scan3A_87, %mul3A_101 : vector<16xf32>
        %mul3A_103 = arith.mulf %min3A_100, %min3A_100 : vector<16xf32>
        %add3A_104 = arith.addf %scan3A_88, %mul3A_103 : vector<16xf32>
        %get3A_105 = arith.index_cast %scan3A_86 : i32 to index
        %get3A_106 = arith.constant 16 : index
        %get3A_107 = tpu.vector_load %arg6[%get3A_105, %get3A_106] {strides = array<i32>} : memref<128x384xf32, #tpu.memory_space<vmem>>, vector<1x16xf32>,
        %get3A_108 = vector.shape_cast %get3A_107 : vector<1x16xf32> to vector<16xf32>
        %sub3A_109 = arith.constant 1.000000e+00 : f32
        %sub3A_110 = vector.broadcast %sub3A_109 : f32 to vector<16xf32>
        %sub3A_111 = arith.subf %get3A_108, %sub3A_110 : vector<16xf32>
        %max3A_112 = arith.constant 0.000000e+00 : f32
        %max3A_113 = vector.broadcast %max3A_112 : f32 to vector<16xf32>
        %max3A_114 = arith.maximumf %sub3A_111, %max3A_113 : vector<16xf32>
        %min3A_115 = arith.constant 0.000000e+00 : f32
        %min3A_116 = vector.broadcast %min3A_115 : f32 to vector<16xf32>
        %min3A_117 = arith.minimumf %get3A_108, %min3A_116 : vector<16xf32>
        %mul3A_118 = arith.mulf %max3A_114, %max3A_114 : vector<16xf32>
        %add3A_119 = arith.addf %scan3A_89, %mul3A_118 : vector<16xf32>
        %mul3A_120 = arith.mulf %min3A_117, %min3A_117 : vector<16xf32>
        %add3A_121 = arith.addf %scan3A_90, %mul3A_120 : vector<16xf32>
        %get3A_122 = arith.index_cast %scan3A_86 : i32 to index
        %get3A_123 = arith.constant 32 : index
        %get3A_124 = tpu.vector_load %arg6[%get3A_122, %get3A_123] {strides = array<i32>} : memref<128x384xf32, #tpu.memory_space<vmem>>, vector<1x16xf32>,
        %get3A_125 = vector.shape_cast %get3A_124 : vector<1x16xf32> to vector<16xf32>
        %sub3A_126 = arith.constant 1.000000e+00 : f32
        %sub3A_127 = vector.broadcast %sub3A_126 : f32 to vector<16xf32>
        %sub3A_128 = arith.subf %get3A_125, %sub3A_127 : vector<16xf32>
        %max3A_129 = arith.constant 0.000000e+00 : f32
        %max3A_130 = vector.broadcast %max3A_129 : f32 to vector<16xf32>
        %max3A_131 = arith.maximumf %sub3A_128, %max3A_130 : vector<16xf32>
        %min3A_132 = arith.constant 0.000000e+00 : f32
        %min3A_133 = vector.broadcast %min3A_132 : f32 to vector<16xf32>
        %min3A_134 = arith.minimumf %get3A_125, %min3A_133 : vector<16xf32>
        %mul3A_135 = arith.mulf %max3A_131, %max3A_131 : vector<16xf32>
        %add3A_136 = arith.addf %add3A_102, %mul3A_135 : vector<16xf32>
        %mul3A_137 = arith.mulf %min3A_134, %min3A_134 : vector<16xf32>
        %add3A_138 = arith.addf %add3A_104, %mul3A_137 : vector<16xf32>
        %get3A_139 = arith.index_cast %scan3A_86 : i32 to index
        %get3A_140 = arith.constant 48 : index
        %get3A_141 = tpu.vector_load %arg6[%get3A_139, %get3A_140] {strides = array<i32>} : memref<128x384xf32, #tpu.memory_space<vmem>>, vector<1x16xf32>,
        %get3A_142 = vector.shape_cast %get3A_141 : vector<1x16xf32> to vector<16xf32>
        %sub3A_143 = arith.constant 1.000000e+00 : f32
        %sub3A_144 = vector.broadcast %sub3A_143 : f32 to vector<16xf32>
        %sub3A_145 = arith.subf %get3A_142, %sub3A_144 : vector<16xf32>
        %max3A_146 = arith.constant 0.000000e+00 : f32
        %max3A_147 = vector.broadcast %max3A_146 : f32 to vector<16xf32>
        %max3A_148 = arith.maximumf %sub3A_145, %max3A_147 : vector<16xf32>
        %min3A_149 = arith.constant 0.000000e+00 : f32
        %min3A_150 = vector.broadcast %min3A_149 : f32 to vector<16xf32>
        %min3A_151 = arith.minimumf %get3A_142, %min3A_150 : vector<16xf32>
        %mul3A_152 = arith.mulf %max3A_148, %max3A_148 : vector<16xf32>
        %add3A_153 = arith.addf %add3A_119, %mul3A_152 : vector<16xf32>
        %mul3A_154 = arith.mulf %min3A_151, %min3A_151 : vector<16xf32>
        %add3A_155 = arith.addf %add3A_121, %mul3A_154 : vector<16xf32>
        %get3A_156 = arith.index_cast %scan3A_86 : i32 to index
        %get3A_157 = arith.constant 64 : index
        %get3A_158 = tpu.vector_load %arg6[%get3A_156, %get3A_157] {strides = array<i32>} : memref<128x384xf32, #tpu.memory_space<vmem>>, vector<1x16xf32>,
        %get3A_159 = vector.shape_cast %get3A_158 : vector<1x16xf32> to vector<16xf32>
        %sub3A_160 = arith.constant 1.000000e+00 : f32
        %sub3A_161 = vector.broadcast %sub3A_160 : f32 to vector<16xf32>
        %sub3A_162 = arith.subf %get3A_159, %sub3A_161 : vector<16xf32>
        %max3A_163 = arith.constant 0.000000e+00 : f32
        %max3A_164 = vector.broadcast %max3A_163 : f32 to vector<16xf32>
        %max3A_165 = arith.maximumf %sub3A_162, %max3A_164 : vector<16xf32>
        %min3A_166 = arith.constant 0.000000e+00 : f32
        %min3A_167 = vector.broadcast %min3A_166 : f32 to vector<16xf32>
        %min3A_168 = arith.minimumf %get3A_159, %min3A_167 : vector<16xf32>
        %mul3A_169 = arith.mulf %max3A_165, %max3A_165 : vector<16xf32>
        %add3A_170 = arith.addf %add3A_136, %mul3A_169 : vector<16xf32>
        %mul3A_171 = arith.mulf %min3A_168, %min3A_168 : vector<16xf32>
        %add3A_172 = arith.addf %add3A_138, %mul3A_171 : vector<16xf32>
        %get3A_173 = arith.index_cast %scan3A_86 : i32 to index
        %get3A_174 = arith.constant 80 : index
        %get3A_175 = tpu.vector_load %arg6[%get3A_173, %get3A_174] {strides = array<i32>} : memref<128x384xf32, #tpu.memory_space<vmem>>, vector<1x16xf32>,
        %get3A_176 = vector.shape_cast %get3A_175 : vector<1x16xf32> to vector<16xf32>
        %sub3A_177 = arith.constant 1.000000e+00 : f32
        %sub3A_178 = vector.broadcast %sub3A_177 : f32 to vector<16xf32>
        %sub3A_179 = arith.subf %get3A_176, %sub3A_178 : vector<16xf32>
        %max3A_180 = arith.constant 0.000000e+00 : f32
        %max3A_181 = vector.broadcast %max3A_180 : f32 to vector<16xf32>
        %max3A_182 = arith.maximumf %sub3A_179, %max3A_181 : vector<16xf32>
        %min3A_183 = arith.constant 0.000000e+00 : f32
        %min3A_184 = vector.broadcast %min3A_183 : f32 to vector<16xf32>
        %min3A_185 = arith.minimumf %get3A_176, %min3A_184 : vector<16xf32>
        %mul3A_186 = arith.mulf %max3A_182, %max3A_182 : vector<16xf32>
        %add3A_187 = arith.addf %add3A_153, %mul3A_186 : vector<16xf32>
        %mul3A_188 = arith.mulf %min3A_185, %min3A_185 : vector<16xf32>
        %add3A_189 = arith.addf %add3A_155, %mul3A_188 : vector<16xf32>
        %get3A_190 = arith.index_cast %scan3A_86 : i32 to index
        %get3A_191 = arith.constant 96 : index
        %get3A_192 = tpu.vector_load %arg6[%get3A_190, %get3A_191] {strides = array<i32>} : memref<128x384xf32, #tpu.memory_space<vmem>>, vector<1x16xf32>,
        %get3A_193 = vector.shape_cast %get3A_192 : vector<1x16xf32> to vector<16xf32>
        %sub3A_194 = arith.constant 1.000000e+00 : f32
        %sub3A_195 = vector.broadcast %sub3A_194 : f32 to vector<16xf32>
        %sub3A_196 = arith.subf %get3A_193, %sub3A_195 : vector<16xf32>
        %max3A_197 = arith.constant 0.000000e+00 : f32
        %max3A_198 = vector.broadcast %max3A_197 : f32 to vector<16xf32>
        %max3A_199 = arith.maximumf %sub3A_196, %max3A_198 : vector<16xf32>
        %min3A_200 = arith.constant 0.000000e+00 : f32
        %min3A_201 = vector.broadcast %min3A_200 : f32 to vector<16xf32>
        %min3A_202 = arith.minimumf %get3A_193, %min3A_201 : vector<16xf32>
        %mul3A_203 = arith.mulf %max3A_199, %max3A_199 : vector<16xf32>
        %add3A_204 = arith.addf %add3A_170, %mul3A_203 : vector<16xf32>
        %mul3A_205 = arith.mulf %min3A_202, %min3A_202 : vector<16xf32>
        %add3A_206 = arith.addf %add3A_172, %mul3A_205 : vector<16xf32>
        %get3A_207 = arith.index_cast %scan3A_86 : i32 to index
        %get3A_208 = arith.constant 112 : index
        %get3A_209 = tpu.vector_load %arg6[%get3A_207, %get3A_208] {strides = array<i32>} : memref<128x384xf32, #tpu.memory_space<vmem>>, vector<1x16xf32>,
        %get3A_210 = vector.shape_cast %get3A_209 : vector<1x16xf32> to vector<16xf32>
        %sub3A_211 = arith.constant 1.000000e+00 : f32
        %sub3A_212 = vector.broadcast %sub3A_211 : f32 to vector<16xf32>
        %sub3A_213 = arith.subf %get3A_210, %sub3A_212 : vector<16xf32>
        %max3A_214 = arith.constant 0.000000e+00 : f32
        %max3A_215 = vector.broadcast %max3A_214 : f32 to vector<16xf32>
        %max3A_216 = arith.maximumf %sub3A_213, %max3A_215 : vector<16xf32>
        %min3A_217 = arith.constant 0.000000e+00 : f32
        %min3A_218 = vector.broadcast %min3A_217 : f32 to vector<16xf32>
        %min3A_219 = arith.minimumf %get3A_210, %min3A_218 : vector<16xf32>
        %mul3A_220 = arith.mulf %max3A_216, %max3A_216 : vector<16xf32>
        %add3A_221 = arith.addf %add3A_187, %mul3A_220 : vector<16xf32>
        %mul3A_222 = arith.mulf %min3A_219, %min3A_219 : vector<16xf32>
        %add3A_223 = arith.addf %add3A_189, %mul3A_222 : vector<16xf32>
        %get3A_224 = arith.index_cast %scan3A_86 : i32 to index
        %get3A_225 = arith.constant 128 : index
        %get3A_226 = tpu.vector_load %arg6[%get3A_224, %get3A_225] {strides = array<i32>} : memref<128x384xf32, #tpu.memory_space<vmem>>, vector<1x16xf32>,
        %get3A_227 = vector.shape_cast %get3A_226 : vector<1x16xf32> to vector<16xf32>
        %sub3A_228 = arith.constant 1.000000e+00 : f32
        %sub3A_229 = vector.broadcast %sub3A_228 : f32 to vector<16xf32>
        %sub3A_230 = arith.subf %get3A_227, %sub3A_229 : vector<16xf32>
        %max3A_231 = arith.constant 0.000000e+00 : f32
        %max3A_232 = vector.broadcast %max3A_231 : f32 to vector<16xf32>
        %max3A_233 = arith.maximumf %sub3A_230, %max3A_232 : vector<16xf32>
        %min3A_234 = arith.constant 0.000000e+00 : f32
        %min3A_235 = vector.broadcast %min3A_234 : f32 to vector<16xf32>
        %min3A_236 = arith.minimumf %get3A_227, %min3A_235 : vector<16xf32>
        %mul3A_237 = arith.mulf %max3A_233, %max3A_233 : vector<16xf32>
        %add3A_238 = arith.addf %add3A_204, %mul3A_237 : vector<16xf32>
        %mul3A_239 = arith.mulf %min3A_236, %min3A_236 : vector<16xf32>
        %add3A_240 = arith.addf %add3A_206, %mul3A_239 : vector<16xf32>
        %get3A_241 = arith.index_cast %scan3A_86 : i32 to index
        %get3A_242 = arith.constant 144 : index
        %get3A_243 = tpu.vector_load %arg6[%get3A_241, %get3A_242] {strides = array<i32>} : memref<128x384xf32, #tpu.memory_space<vmem>>, vector<1x16xf32>,
        %get3A_244 = vector.shape_cast %get3A_243 : vector<1x16xf32> to vector<16xf32>
        %sub3A_245 = arith.constant 1.000000e+00 : f32
        %sub3A_246 = vector.broadcast %sub3A_245 : f32 to vector<16xf32>
        %sub3A_247 = arith.subf %get3A_244, %sub3A_246 : vector<16xf32>
        %max3A_248 = arith.constant 0.000000e+00 : f32
        %max3A_249 = vector.broadcast %max3A_248 : f32 to vector<16xf32>
        %max3A_250 = arith.maximumf %sub3A_247, %max3A_249 : vector<16xf32>
        %min3A_251 = arith.constant 0.000000e+00 : f32
        %min3A_252 = vector.broadcast %min3A_251 : f32 to vector<16xf32>
        %min3A_253 = arith.minimumf %get3A_244, %min3A_252 : vector<16xf32>
        %mul3A_254 = arith.mulf %max3A_250, %max3A_250 : vector<16xf32>
        %add3A_255 = arith.addf %add3A_221, %mul3A_254 : vector<16xf32>
        %mul3A_256 = arith.mulf %min3A_253, %min3A_253 : vector<16xf32>
        %add3A_257 = arith.addf %add3A_223, %mul3A_256 : vector<16xf32>
        %get3A_258 = arith.index_cast %scan3A_86 : i32 to index
        %get3A_259 = arith.constant 160 : index
        %get3A_260 = tpu.vector_load %arg6[%get3A_258, %get3A_259] {strides = array<i32>} : memref<128x384xf32, #tpu.memory_space<vmem>>, vector<1x16xf32>,
        %get3A_261 = vector.shape_cast %get3A_260 : vector<1x16xf32> to vector<16xf32>
        %sub3A_262 = arith.constant 1.000000e+00 : f32
        %sub3A_263 = vector.broadcast %sub3A_262 : f32 to vector<16xf32>
        %sub3A_264 = arith.subf %get3A_261, %sub3A_263 : vector<16xf32>
        %max3A_265 = arith.constant 0.000000e+00 : f32
        %max3A_266 = vector.broadcast %max3A_265 : f32 to vector<16xf32>
        %max3A_267 = arith.maximumf %sub3A_264, %max3A_266 : vector<16xf32>
        %min3A_268 = arith.constant 0.000000e+00 : f32
        %min3A_269 = vector.broadcast %min3A_268 : f32 to vector<16xf32>
        %min3A_270 = arith.minimumf %get3A_261, %min3A_269 : vector<16xf32>
        %mul3A_271 = arith.mulf %max3A_267, %max3A_267 : vector<16xf32>
        %add3A_272 = arith.addf %add3A_238, %mul3A_271 : vector<16xf32>
        %mul3A_273 = arith.mulf %min3A_270, %min3A_270 : vector<16xf32>
        %add3A_274 = arith.addf %add3A_240, %mul3A_273 : vector<16xf32>
        %get3A_275 = arith.index_cast %scan3A_86 : i32 to index
        %get3A_276 = arith.constant 176 : index
        %get3A_277 = tpu.vector_load %arg6[%get3A_275, %get3A_276] {strides = array<i32>} : memref<128x384xf32, #tpu.memory_space<vmem>>, vector<1x16xf32>,
        %get3A_278 = vector.shape_cast %get3A_277 : vector<1x16xf32> to vector<16xf32>
        %sub3A_279 = arith.constant 1.000000e+00 : f32
        %sub3A_280 = vector.broadcast %sub3A_279 : f32 to vector<16xf32>
        %sub3A_281 = arith.subf %get3A_278, %sub3A_280 : vector<16xf32>
        %max3A_282 = arith.constant 0.000000e+00 : f32
        %max3A_283 = vector.broadcast %max3A_282 : f32 to vector<16xf32>
        %max3A_284 = arith.maximumf %sub3A_281, %max3A_283 : vector<16xf32>
        %min3A_285 = arith.constant 0.000000e+00 : f32
        %min3A_286 = vector.broadcast %min3A_285 : f32 to vector<16xf32>
        %min3A_287 = arith.minimumf %get3A_278, %min3A_286 : vector<16xf32>
        %mul3A_288 = arith.mulf %max3A_284, %max3A_284 : vector<16xf32>
        %add3A_289 = arith.addf %add3A_255, %mul3A_288 : vector<16xf32>
        %mul3A_290 = arith.mulf %min3A_287, %min3A_287 : vector<16xf32>
        %add3A_291 = arith.addf %add3A_257, %mul3A_290 : vector<16xf32>
        %get3A_292 = arith.index_cast %scan3A_86 : i32 to index
        %get3A_293 = arith.constant 192 : index
        %get3A_294 = tpu.vector_load %arg6[%get3A_292, %get3A_293] {strides = array<i32>} : memref<128x384xf32, #tpu.memory_space<vmem>>, vector<1x16xf32>,
        %get3A_295 = vector.shape_cast %get3A_294 : vector<1x16xf32> to vector<16xf32>
        %sub3A_296 = arith.constant 1.000000e+00 : f32
        %sub3A_297 = vector.broadcast %sub3A_296 : f32 to vector<16xf32>
        %sub3A_298 = arith.subf %get3A_295, %sub3A_297 : vector<16xf32>
        %max3A_299 = arith.constant 0.000000e+00 : f32
        %max3A_300 = vector.broadcast %max3A_299 : f32 to vector<16xf32>
        %max3A_301 = arith.maximumf %sub3A_298, %max3A_300 : vector<16xf32>
        %min3A_302 = arith.constant 0.000000e+00 : f32
        %min3A_303 = vector.broadcast %min3A_302 : f32 to vector<16xf32>
        %min3A_304 = arith.minimumf %get3A_295, %min3A_303 : vector<16xf32>
        %mul3A_305 = arith.mulf %max3A_301, %max3A_301 : vector<16xf32>
        %add3A_306 = arith.addf %add3A_272, %mul3A_305 : vector<16xf32>
        %mul3A_307 = arith.mulf %min3A_304, %min3A_304 : vector<16xf32>
        %add3A_308 = arith.addf %add3A_274, %mul3A_307 : vector<16xf32>
        %get3A_309 = arith.index_cast %scan3A_86 : i32 to index
        %get3A_310 = arith.constant 208 : index
        %get3A_311 = tpu.vector_load %arg6[%get3A_309, %get3A_310] {strides = array<i32>} : memref<128x384xf32, #tpu.memory_space<vmem>>, vector<1x16xf32>,
        %get3A_312 = vector.shape_cast %get3A_311 : vector<1x16xf32> to vector<16xf32>
        %sub3A_313 = arith.constant 1.000000e+00 : f32
        %sub3A_314 = vector.broadcast %sub3A_313 : f32 to vector<16xf32>
        %sub3A_315 = arith.subf %get3A_312, %sub3A_314 : vector<16xf32>
        %max3A_316 = arith.constant 0.000000e+00 : f32
        %max3A_317 = vector.broadcast %max3A_316 : f32 to vector<16xf32>
        %max3A_318 = arith.maximumf %sub3A_315, %max3A_317 : vector<16xf32>
        %min3A_319 = arith.constant 0.000000e+00 : f32
        %min3A_320 = vector.broadcast %min3A_319 : f32 to vector<16xf32>
        %min3A_321 = arith.minimumf %get3A_312, %min3A_320 : vector<16xf32>
        %mul3A_322 = arith.mulf %max3A_318, %max3A_318 : vector<16xf32>
        %add3A_323 = arith.addf %add3A_289, %mul3A_322 : vector<16xf32>
        %mul3A_324 = arith.mulf %min3A_321, %min3A_321 : vector<16xf32>
        %add3A_325 = arith.addf %add3A_291, %mul3A_324 : vector<16xf32>
        %get3A_326 = arith.index_cast %scan3A_86 : i32 to index
        %get3A_327 = arith.constant 224 : index
        %get3A_328 = tpu.vector_load %arg6[%get3A_326, %get3A_327] {strides = array<i32>} : memref<128x384xf32, #tpu.memory_space<vmem>>, vector<1x16xf32>,
        %get3A_329 = vector.shape_cast %get3A_328 : vector<1x16xf32> to vector<16xf32>
        %sub3A_330 = arith.constant 1.000000e+00 : f32
        %sub3A_331 = vector.broadcast %sub3A_330 : f32 to vector<16xf32>
        %sub3A_332 = arith.subf %get3A_329, %sub3A_331 : vector<16xf32>
        %max3A_333 = arith.constant 0.000000e+00 : f32
        %max3A_334 = vector.broadcast %max3A_333 : f32 to vector<16xf32>
        %max3A_335 = arith.maximumf %sub3A_332, %max3A_334 : vector<16xf32>
        %min3A_336 = arith.constant 0.000000e+00 : f32
        %min3A_337 = vector.broadcast %min3A_336 : f32 to vector<16xf32>
        %min3A_338 = arith.minimumf %get3A_329, %min3A_337 : vector<16xf32>
        %mul3A_339 = arith.mulf %max3A_335, %max3A_335 : vector<16xf32>
        %add3A_340 = arith.addf %add3A_306, %mul3A_339 : vector<16xf32>
        %mul3A_341 = arith.mulf %min3A_338, %min3A_338 : vector<16xf32>
        %add3A_342 = arith.addf %add3A_308, %mul3A_341 : vector<16xf32>
        %get3A_343 = arith.index_cast %scan3A_86 : i32 to index
        %get3A_344 = arith.constant 240 : index
        %get3A_345 = tpu.vector_load %arg6[%get3A_343, %get3A_344] {strides = array<i32>} : memref<128x384xf32, #tpu.memory_space<vmem>>, vector<1x16xf32>,
        %get3A_346 = vector.shape_cast %get3A_345 : vector<1x16xf32> to vector<16xf32>
        %sub3A_347 = arith.constant 1.000000e+00 : f32
        %sub3A_348 = vector.broadcast %sub3A_347 : f32 to vector<16xf32>
        %sub3A_349 = arith.subf %get3A_346, %sub3A_348 : vector<16xf32>
        %max3A_350 = arith.constant 0.000000e+00 : f32
        %max3A_351 = vector.broadcast %max3A_350 : f32 to vector<16xf32>
        %max3A_352 = arith.maximumf %sub3A_349, %max3A_351 : vector<16xf32>
        %min3A_353 = arith.constant 0.000000e+00 : f32
        %min3A_354 = vector.broadcast %min3A_353 : f32 to vector<16xf32>
        %min3A_355 = arith.minimumf %get3A_346, %min3A_354 : vector<16xf32>
        %mul3A_356 = arith.mulf %max3A_352, %max3A_352 : vector<16xf32>
        %add3A_357 = arith.addf %add3A_323, %mul3A_356 : vector<16xf32>
        %mul3A_358 = arith.mulf %min3A_355, %min3A_355 : vector<16xf32>
        %add3A_359 = arith.addf %add3A_325, %mul3A_358 : vector<16xf32>
        %get3A_360 = arith.index_cast %scan3A_86 : i32 to index
        %get3A_361 = arith.constant 256 : index
        %get3A_362 = tpu.vector_load %arg6[%get3A_360, %get3A_361] {strides = array<i32>} : memref<128x384xf32, #tpu.memory_space<vmem>>, vector<1x16xf32>,
        %get3A_363 = vector.shape_cast %get3A_362 : vector<1x16xf32> to vector<16xf32>
        %sub3A_364 = arith.constant 1.000000e+00 : f32
        %sub3A_365 = vector.broadcast %sub3A_364 : f32 to vector<16xf32>
        %sub3A_366 = arith.subf %get3A_363, %sub3A_365 : vector<16xf32>
        %max3A_367 = arith.constant 0.000000e+00 : f32
        %max3A_368 = vector.broadcast %max3A_367 : f32 to vector<16xf32>
        %max3A_369 = arith.maximumf %sub3A_366, %max3A_368 : vector<16xf32>
        %min3A_370 = arith.constant 0.000000e+00 : f32
        %min3A_371 = vector.broadcast %min3A_370 : f32 to vector<16xf32>
        %min3A_372 = arith.minimumf %get3A_363, %min3A_371 : vector<16xf32>
        %mul3A_373 = arith.mulf %max3A_369, %max3A_369 : vector<16xf32>
        %add3A_374 = arith.addf %add3A_340, %mul3A_373 : vector<16xf32>
        %mul3A_375 = arith.mulf %min3A_372, %min3A_372 : vector<16xf32>
        %add3A_376 = arith.addf %add3A_342, %mul3A_375 : vector<16xf32>
        %get3A_377 = arith.index_cast %scan3A_86 : i32 to index
        %get3A_378 = arith.constant 272 : index
        %get3A_379 = tpu.vector_load %arg6[%get3A_377, %get3A_378] {strides = array<i32>} : memref<128x384xf32, #tpu.memory_space<vmem>>, vector<1x16xf32>,
        %get3A_380 = vector.shape_cast %get3A_379 : vector<1x16xf32> to vector<16xf32>
        %sub3A_381 = arith.constant 1.000000e+00 : f32
        %sub3A_382 = vector.broadcast %sub3A_381 : f32 to vector<16xf32>
        %sub3A_383 = arith.subf %get3A_380, %sub3A_382 : vector<16xf32>
        %max3A_384 = arith.constant 0.000000e+00 : f32
        %max3A_385 = vector.broadcast %max3A_384 : f32 to vector<16xf32>
        %max3A_386 = arith.maximumf %sub3A_383, %max3A_385 : vector<16xf32>
        %min3A_387 = arith.constant 0.000000e+00 : f32
        %min3A_388 = vector.broadcast %min3A_387 : f32 to vector<16xf32>
        %min3A_389 = arith.minimumf %get3A_380, %min3A_388 : vector<16xf32>
        %mul3A_390 = arith.mulf %max3A_386, %max3A_386 : vector<16xf32>
        %add3A_391 = arith.addf %add3A_357, %mul3A_390 : vector<16xf32>
        %mul3A_392 = arith.mulf %min3A_389, %min3A_389 : vector<16xf32>
        %add3A_393 = arith.addf %add3A_359, %mul3A_392 : vector<16xf32>
        %get3A_394 = arith.index_cast %scan3A_86 : i32 to index
        %get3A_395 = arith.constant 288 : index
        %get3A_396 = tpu.vector_load %arg6[%get3A_394, %get3A_395] {strides = array<i32>} : memref<128x384xf32, #tpu.memory_space<vmem>>, vector<1x16xf32>,
        %get3A_397 = vector.shape_cast %get3A_396 : vector<1x16xf32> to vector<16xf32>
        %sub3A_398 = arith.constant 1.000000e+00 : f32
        %sub3A_399 = vector.broadcast %sub3A_398 : f32 to vector<16xf32>
        %sub3A_400 = arith.subf %get3A_397, %sub3A_399 : vector<16xf32>
        %max3A_401 = arith.constant 0.000000e+00 : f32
        %max3A_402 = vector.broadcast %max3A_401 : f32 to vector<16xf32>
        %max3A_403 = arith.maximumf %sub3A_400, %max3A_402 : vector<16xf32>
        %min3A_404 = arith.constant 0.000000e+00 : f32
        %min3A_405 = vector.broadcast %min3A_404 : f32 to vector<16xf32>
        %min3A_406 = arith.minimumf %get3A_397, %min3A_405 : vector<16xf32>
        %mul3A_407 = arith.mulf %max3A_403, %max3A_403 : vector<16xf32>
        %add3A_408 = arith.addf %add3A_374, %mul3A_407 : vector<16xf32>
        %mul3A_409 = arith.mulf %min3A_406, %min3A_406 : vector<16xf32>
        %add3A_410 = arith.addf %add3A_376, %mul3A_409 : vector<16xf32>
        %get3A_411 = arith.index_cast %scan3A_86 : i32 to index
        %get3A_412 = arith.constant 304 : index
        %get3A_413 = tpu.vector_load %arg6[%get3A_411, %get3A_412] {strides = array<i32>} : memref<128x384xf32, #tpu.memory_space<vmem>>, vector<1x16xf32>,
        %get3A_414 = vector.shape_cast %get3A_413 : vector<1x16xf32> to vector<16xf32>
        %sub3A_415 = arith.constant 1.000000e+00 : f32
        %sub3A_416 = vector.broadcast %sub3A_415 : f32 to vector<16xf32>
        %sub3A_417 = arith.subf %get3A_414, %sub3A_416 : vector<16xf32>
        %max3A_418 = arith.constant 0.000000e+00 : f32
        %max3A_419 = vector.broadcast %max3A_418 : f32 to vector<16xf32>
        %max3A_420 = arith.maximumf %sub3A_417, %max3A_419 : vector<16xf32>
        %min3A_421 = arith.constant 0.000000e+00 : f32
        %min3A_422 = vector.broadcast %min3A_421 : f32 to vector<16xf32>
        %min3A_423 = arith.minimumf %get3A_414, %min3A_422 : vector<16xf32>
        %mul3A_424 = arith.mulf %max3A_420, %max3A_420 : vector<16xf32>
        %add3A_425 = arith.addf %add3A_391, %mul3A_424 : vector<16xf32>
        %mul3A_426 = arith.mulf %min3A_423, %min3A_423 : vector<16xf32>
        %add3A_427 = arith.addf %add3A_393, %mul3A_426 : vector<16xf32>
        %get3A_428 = arith.index_cast %scan3A_86 : i32 to index
        %get3A_429 = arith.constant 320 : index
        %get3A_430 = tpu.vector_load %arg6[%get3A_428, %get3A_429] {strides = array<i32>} : memref<128x384xf32, #tpu.memory_space<vmem>>, vector<1x16xf32>,
        %get3A_431 = vector.shape_cast %get3A_430 : vector<1x16xf32> to vector<16xf32>
        %sub3A_432 = arith.constant 1.000000e+00 : f32
        %sub3A_433 = vector.broadcast %sub3A_432 : f32 to vector<16xf32>
        %sub3A_434 = arith.subf %get3A_431, %sub3A_433 : vector<16xf32>
        %max3A_435 = arith.constant 0.000000e+00 : f32
        %max3A_436 = vector.broadcast %max3A_435 : f32 to vector<16xf32>
        %max3A_437 = arith.maximumf %sub3A_434, %max3A_436 : vector<16xf32>
        %min3A_438 = arith.constant 0.000000e+00 : f32
        %min3A_439 = vector.broadcast %min3A_438 : f32 to vector<16xf32>
        %min3A_440 = arith.minimumf %get3A_431, %min3A_439 : vector<16xf32>
        %mul3A_441 = arith.mulf %max3A_437, %max3A_437 : vector<16xf32>
        %add3A_442 = arith.addf %add3A_408, %mul3A_441 : vector<16xf32>
        %mul3A_443 = arith.mulf %min3A_440, %min3A_440 : vector<16xf32>
        %add3A_444 = arith.addf %add3A_410, %mul3A_443 : vector<16xf32>
        %get3A_445 = arith.index_cast %scan3A_86 : i32 to index
        %get3A_446 = arith.constant 336 : index
        %get3A_447 = tpu.vector_load %arg6[%get3A_445, %get3A_446] {strides = array<i32>} : memref<128x384xf32, #tpu.memory_space<vmem>>, vector<1x16xf32>,
        %get3A_448 = vector.shape_cast %get3A_447 : vector<1x16xf32> to vector<16xf32>
        %sub3A_449 = arith.constant 1.000000e+00 : f32
        %sub3A_450 = vector.broadcast %sub3A_449 : f32 to vector<16xf32>
        %sub3A_451 = arith.subf %get3A_448, %sub3A_450 : vector<16xf32>
        %max3A_452 = arith.constant 0.000000e+00 : f32
        %max3A_453 = vector.broadcast %max3A_452 : f32 to vector<16xf32>
        %max3A_454 = arith.maximumf %sub3A_451, %max3A_453 : vector<16xf32>
        %min3A_455 = arith.constant 0.000000e+00 : f32
        %min3A_456 = vector.broadcast %min3A_455 : f32 to vector<16xf32>
        %min3A_457 = arith.minimumf %get3A_448, %min3A_456 : vector<16xf32>
        %mul3A_458 = arith.mulf %max3A_454, %max3A_454 : vector<16xf32>
        %add3A_459 = arith.addf %add3A_425, %mul3A_458 : vector<16xf32>
        %mul3A_460 = arith.mulf %min3A_457, %min3A_457 : vector<16xf32>
        %add3A_461 = arith.addf %add3A_427, %mul3A_460 : vector<16xf32>
        %get3A_462 = arith.index_cast %scan3A_86 : i32 to index
        %get3A_463 = arith.constant 352 : index
        %get3A_464 = tpu.vector_load %arg6[%get3A_462, %get3A_463] {strides = array<i32>} : memref<128x384xf32, #tpu.memory_space<vmem>>, vector<1x16xf32>,
        %get3A_465 = vector.shape_cast %get3A_464 : vector<1x16xf32> to vector<16xf32>
        %sub3A_466 = arith.constant 1.000000e+00 : f32
        %sub3A_467 = vector.broadcast %sub3A_466 : f32 to vector<16xf32>
        %sub3A_468 = arith.subf %get3A_465, %sub3A_467 : vector<16xf32>
        %max3A_469 = arith.constant 0.000000e+00 : f32
        %max3A_470 = vector.broadcast %max3A_469 : f32 to vector<16xf32>
        %max3A_471 = arith.maximumf %sub3A_468, %max3A_470 : vector<16xf32>
        %min3A_472 = arith.constant 0.000000e+00 : f32
        %min3A_473 = vector.broadcast %min3A_472 : f32 to vector<16xf32>
        %min3A_474 = arith.minimumf %get3A_465, %min3A_473 : vector<16xf32>
        %mul3A_475 = arith.mulf %max3A_471, %max3A_471 : vector<16xf32>
        %add3A_476 = arith.addf %add3A_442, %mul3A_475 : vector<16xf32>
        %mul3A_477 = arith.mulf %min3A_474, %min3A_474 : vector<16xf32>
        %add3A_478 = arith.addf %add3A_444, %mul3A_477 : vector<16xf32>
        %get3A_479 = arith.index_cast %scan3A_86 : i32 to index
        %get3A_480 = arith.constant 368 : index
        %get3A_481 = tpu.vector_load %arg6[%get3A_479, %get3A_480] {strides = array<i32>} : memref<128x384xf32, #tpu.memory_space<vmem>>, vector<1x16xf32>,
        %get3A_482 = vector.shape_cast %get3A_481 : vector<1x16xf32> to vector<16xf32>
        %sub3A_483 = arith.constant 1.000000e+00 : f32
        %sub3A_484 = vector.broadcast %sub3A_483 : f32 to vector<16xf32>
        %sub3A_485 = arith.subf %get3A_482, %sub3A_484 : vector<16xf32>
        %max3A_486 = arith.constant 0.000000e+00 : f32
        %max3A_487 = vector.broadcast %max3A_486 : f32 to vector<16xf32>
        %max3A_488 = arith.maximumf %sub3A_485, %max3A_487 : vector<16xf32>
        %min3A_489 = arith.constant 0.000000e+00 : f32
        %min3A_490 = vector.broadcast %min3A_489 : f32 to vector<16xf32>
        %min3A_491 = arith.minimumf %get3A_482, %min3A_490 : vector<16xf32>
        %mul3A_492 = arith.mulf %max3A_488, %max3A_488 : vector<16xf32>
        %add3A_493 = arith.addf %add3A_459, %mul3A_492 : vector<16xf32>
        %mul3A_494 = arith.mulf %min3A_491, %min3A_491 : vector<16xf32>
        %add3A_495 = arith.addf %add3A_461, %mul3A_494 : vector<16xf32>
        scf.yield %add3A_476, %add3A_478, %add3A_493, %add3A_495 : vector<16xf32>, vector<16xf32>, vector<16xf32>, vector<16xf32>
      }
      %scan3A_72 = arith.constant 128 : i32
      %mul3A_73 = arith.constant 2 : i32
      %mul3A_74 = arith.muli %mul3A_73, %scan3A_36 : i32
      %add3A_75 = arith.constant 3 : i32
      %add3A_76 = arith.addi %mul3A_74, %add3A_75 : i32
      %min3A_77 = arith.constant 3 : i32
      %min3A_78 = arith.minsi %add3A_76, %min3A_77 : i32
      %mul3A_79 = arith.constant 128 : i32
      %mul3A_80 = arith.muli %min3A_78, %mul3A_79 : i32
      %add3A_81 = arith.addi %add3A_4, %mul3A_80 : i32
      %dma_start3A_82 = arith.constant 0 : i32
      %dma_start3A_83 = tpu.memref_slice %arg2[%add3A_81, %dma_start3A_82] : memref<147456x384xf32, #tpu.memory_space<hbm>> -> memref<128x384xf32, #tpu.memory_space<hbm>>
      %dma_start3A_84 = arith.constant 0 : i32
      %dma_start3A_85 = tpu.memref_slice %arg2[%add3A_81, %dma_start3A_84] : memref<147456x384xf32, #tpu.memory_space<hbm>> -> memref<128x384xf32, #tpu.memory_space<hbm>>
      tpu.enqueue_dma source(%dma_start3A_85 : memref<128x384xf32, #tpu.memory_space<hbm>>) target(%arg6 : memref<128x384xf32, #tpu.memory_space<vmem>>) target_semaphore(%arg10 : memref<!tpu.dma_semaphore, #tpu.memory_space<semaphore_mem>>)
      scf.yield %scan3A_71#0, %scan3A_71#1, %scan3A_71#2, %scan3A_71#3 : vector<16xf32>, vector<16xf32>, vector<16xf32>, vector<16xf32>
    }
    %scan3A_19 = arith.constant 2 : i32
    %dma_wait3A = arith.constant 0 : i32
    %dma_wait3A_20 = tpu.memref_slice %arg2[%add3A_4, %dma_wait3A] : memref<147456x384xf32, #tpu.memory_space<hbm>> -> memref<128x384xf32, #tpu.memory_space<hbm>>
    %dma_wait3A_21 = arith.constant 0 : i32
    %dma_wait3A_22 = tpu.memref_slice %arg2[%add3A_4, %dma_wait3A_21] : memref<147456x384xf32, #tpu.memory_space<hbm>> -> memref<128x384xf32, #tpu.memory_space<hbm>>
    tpu.wait_dma2 semaphore(%arg9 : memref<!tpu.dma_semaphore, #tpu.memory_space<semaphore_mem>>) src(%dma_wait3A_22 : memref<128x384xf32, #tpu.memory_space<hbm>>) dst(%arg5 : memref<128x384xf32, #tpu.memory_space<vmem>>)
    %dma_wait3A_23 = arith.constant 0 : i32
    %dma_wait3A_24 = tpu.memref_slice %arg2[%add3A_4, %dma_wait3A_23] : memref<147456x384xf32, #tpu.memory_space<hbm>> -> memref<128x384xf32, #tpu.memory_space<hbm>>
    %dma_wait3A_25 = arith.constant 0 : i32
    %dma_wait3A_26 = tpu.memref_slice %arg2[%add3A_4, %dma_wait3A_25] : memref<147456x384xf32, #tpu.memory_space<hbm>> -> memref<128x384xf32, #tpu.memory_space<hbm>>
    tpu.wait_dma2 semaphore(%arg10 : memref<!tpu.dma_semaphore, #tpu.memory_space<semaphore_mem>>) src(%dma_wait3A_26 : memref<128x384xf32, #tpu.memory_space<hbm>>) dst(%arg6 : memref<128x384xf32, #tpu.memory_space<vmem>>)
    %add3A_27 = arith.addf %scan3A_18#0, %scan3A_18#2 : vector<16xf32>
    %swap3A = arith.constant 0 : index
    %swap3A_28 = tpu.vector_load %arg7[%swap3A] {strides = array<i32>} : memref<16xf32, #tpu.memory_space<vmem>>, vector<16xf32>,
    %swap3A_29 = vector.shape_cast %swap3A_28 : vector<16xf32> to vector<16xf32>
    %swap3A_30 = vector.shape_cast %add3A_27 : vector<16xf32> to vector<16xf32>
    tpu.vector_store %arg7[%swap3A], %swap3A_30 {strides = array<i32>} : memref<16xf32, #tpu.memory_space<vmem>>, vector<16xf32>,
    %add3A_31 = arith.addf %scan3A_18#1, %scan3A_18#3 : vector<16xf32>
    %swap3A_32 = arith.constant 0 : index
    %swap3A_33 = tpu.vector_load %arg8[%swap3A_32] {strides = array<i32>} : memref<16xf32, #tpu.memory_space<vmem>>, vector<16xf32>,
    %swap3A_34 = vector.shape_cast %swap3A_33 : vector<16xf32> to vector<16xf32>
    %swap3A_35 = vector.shape_cast %add3A_31 : vector<16xf32> to vector<16xf32>
    tpu.vector_store %arg8[%swap3A_32], %swap3A_35 {strides = array<i32>} : memref<16xf32, #tpu.memory_space<vmem>>, vector<16xf32>,
    "tpu.region"() ({
      %run_scoped3A = tpu.sem_alloc : memref<!tpu.dma_semaphore, #tpu.memory_space<semaphore_mem>>
      %dma_start3A_36 = arith.constant 0 : i32
      %dma_start3A_37 = tpu.memref_slice %arg3[%add3A, %dma_start3A_36] : memref<32x16xf32, #tpu.memory_space<hbm>> -> memref<1x16xf32, #tpu.memory_space<hbm>>
      %dma_start3A_38 = tpu.memref_squeeze %dma_start3A_37 : memref<1x16xf32, #tpu.memory_space<hbm>> -> memref<16xf32, #tpu.memory_space<hbm>>
      %dma_start3A_39 = arith.constant 0 : i32
      %dma_start3A_40 = tpu.memref_slice %arg3[%add3A, %dma_start3A_39] : memref<32x16xf32, #tpu.memory_space<hbm>> -> memref<1x16xf32, #tpu.memory_space<hbm>>
      %dma_start3A_41 = tpu.memref_squeeze %dma_start3A_40 : memref<1x16xf32, #tpu.memory_space<hbm>> -> memref<16xf32, #tpu.memory_space<hbm>>
      tpu.enqueue_dma source(%arg7 : memref<16xf32, #tpu.memory_space<vmem>>) target(%dma_start3A_41 : memref<16xf32, #tpu.memory_space<hbm>>) target_semaphore(%run_scoped3A : memref<!tpu.dma_semaphore, #tpu.memory_space<semaphore_mem>>)
      %dma_wait3A_42 = arith.constant 0 : i32
      %dma_wait3A_43 = tpu.memref_slice %arg3[%add3A, %dma_wait3A_42] : memref<32x16xf32, #tpu.memory_space<hbm>> -> memref<1x16xf32, #tpu.memory_space<hbm>>
      %dma_wait3A_44 = tpu.memref_squeeze %dma_wait3A_43 : memref<1x16xf32, #tpu.memory_space<hbm>> -> memref<16xf32, #tpu.memory_space<hbm>>
      %dma_wait3A_45 = arith.constant 0 : i32
      %dma_wait3A_46 = tpu.memref_slice %arg3[%add3A, %dma_wait3A_45] : memref<32x16xf32, #tpu.memory_space<hbm>> -> memref<1x16xf32, #tpu.memory_space<hbm>>
      %dma_wait3A_47 = tpu.memref_squeeze %dma_wait3A_46 : memref<1x16xf32, #tpu.memory_space<hbm>> -> memref<16xf32, #tpu.memory_space<hbm>>
      tpu.wait_dma2 semaphore(%run_scoped3A : memref<!tpu.dma_semaphore, #tpu.memory_space<semaphore_mem>>) src(%arg7 : memref<16xf32, #tpu.memory_space<vmem>>) dst(%dma_wait3A_47 : memref<16xf32, #tpu.memory_space<hbm>>)
      tpu.yield
    }) : () -> ()
    "tpu.region"() ({
      %run_scoped3A = tpu.sem_alloc : memref<!tpu.dma_semaphore, #tpu.memory_space<semaphore_mem>>
      %dma_start3A_36 = arith.constant 0 : i32
      %dma_start3A_37 = tpu.memref_slice %arg4[%add3A, %dma_start3A_36] : memref<32x16xf32, #tpu.memory_space<hbm>> -> memref<1x16xf32, #tpu.memory_space<hbm>>
      %dma_start3A_38 = tpu.memref_squeeze %dma_start3A_37 : memref<1x16xf32, #tpu.memory_space<hbm>> -> memref<16xf32, #tpu.memory_space<hbm>>
      %dma_start3A_39 = arith.constant 0 : i32
      %dma_start3A_40 = tpu.memref_slice %arg4[%add3A, %dma_start3A_39] : memref<32x16xf32, #tpu.memory_space<hbm>> -> memref<1x16xf32, #tpu.memory_space<hbm>>
      %dma_start3A_41 = tpu.memref_squeeze %dma_start3A_40 : memref<1x16xf32, #tpu.memory_space<hbm>> -> memref<16xf32, #tpu.memory_space<hbm>>
      tpu.enqueue_dma source(%arg8 : memref<16xf32, #tpu.memory_space<vmem>>) target(%dma_start3A_41 : memref<16xf32, #tpu.memory_space<hbm>>) target_semaphore(%run_scoped3A : memref<!tpu.dma_semaphore, #tpu.memory_space<semaphore_mem>>)
      %dma_wait3A_42 = arith.constant 0 : i32
      %dma_wait3A_43 = tpu.memref_slice %arg4[%add3A, %dma_wait3A_42] : memref<32x16xf32, #tpu.memory_space<hbm>> -> memref<1x16xf32, #tpu.memory_space<hbm>>
      %dma_wait3A_44 = tpu.memref_squeeze %dma_wait3A_43 : memref<1x16xf32, #tpu.memory_space<hbm>> -> memref<16xf32, #tpu.memory_space<hbm>>
      %dma_wait3A_45 = arith.constant 0 : i32
      %dma_wait3A_46 = tpu.memref_slice %arg4[%add3A, %dma_wait3A_45] : memref<32x16xf32, #tpu.memory_space<hbm>> -> memref<1x16xf32, #tpu.memory_space<hbm>>
      %dma_wait3A_47 = tpu.memref_squeeze %dma_wait3A_46 : memref<1x16xf32, #tpu.memory_space<hbm>> -> memref<16xf32, #tpu.memory_space<hbm>>
      tpu.wait_dma2 semaphore(%run_scoped3A : memref<!tpu.dma_semaphore, #tpu.memory_space<semaphore_mem>>) src(%arg8 : memref<16xf32, #tpu.memory_space<vmem>>) dst(%dma_wait3A_47 : memref<16xf32, #tpu.memory_space<hbm>>)
      tpu.yield
    }) : () -> ()
    return
  }
}

module attributes {stable_mosaic.version = 14 : i64} {
  func.func @_tc_body(%arg0: i32, %arg1: memref<8192x384xf32, #tpu.memory_space<vmem>>, %arg2: memref<1x2xf32, #tpu.memory_space<smem>>, %arg3: memref<8x384xf32, #tpu.memory_space<vmem>>, %arg4: memref<8x384xf32, #tpu.memory_space<vmem>>) attributes {dimension_semantics = [#tpu.dimension_semantics<arbitrary>], iteration_bounds = array<i64: 16>, scalar_prefetch = 0 : i64, scratch_operands = 2 : i64, tpu.core_type = #tpu.core_type<tc>, window_params = [{transform_indices = @transform_0, window_bounds = array<i64: 8192, 384>}, {transform_indices = @transform_1, window_bounds = array<i64: 1, 2>}]} {
    %broadcast_in_dim3A = arith.constant 0.000000e+00 : f32
    %broadcast_in_dim3A_0 = vector.broadcast %broadcast_in_dim3A : f32 to vector<8x384xf32>
    %scan3A = arith.constant 0 : i32
    %scan3A_1 = arith.constant 128 : i32
    %scan3A_2 = arith.addi %scan3A, %scan3A_1 : i32
    %scan3A_3 = arith.constant 1 : i32
    %scan3A_4:2 = scf.for %scan3A_24 = %scan3A to %scan3A_2 step %scan3A_3 iter_args(%scan3A_25 = %broadcast_in_dim3A_0, %scan3A_26 = %broadcast_in_dim3A_0) -> (vector<8x384xf32>, vector<8x384xf32>)  : i32 {
      %mul3A = arith.constant 64 : i32
      %mul3A_27 = arith.muli %scan3A_24, %mul3A : i32
      %add3A_28 = arith.constant 0 : i32
      %add3A_29 = arith.addi %mul3A_27, %add3A_28 : i32
      %get3A_30 = arith.index_cast %add3A_29 : i32 to index
      %get3A_31 = arith.constant 0 : index
      %get3A_32 = vector.load %arg1[%get3A_30, %get3A_31] : memref<8192x384xf32, #tpu.memory_space<vmem>>, vector<8x384xf32>
      %sub3A = arith.constant 1.000000e+00 : f32
      %sub3A_33 = vector.broadcast %sub3A : f32 to vector<8x384xf32>
      %sub3A_34 = arith.subf %get3A_32, %sub3A_33 : vector<8x384xf32>
      %max3A = arith.constant 0.000000e+00 : f32
      %max3A_35 = vector.broadcast %max3A : f32 to vector<8x384xf32>
      %max3A_36 = arith.maximumf %sub3A_34, %max3A_35 : vector<8x384xf32>
      %min3A = arith.constant 0.000000e+00 : f32
      %min3A_37 = vector.broadcast %min3A : f32 to vector<8x384xf32>
      %min3A_38 = arith.minimumf %get3A_32, %min3A_37 : vector<8x384xf32>
      %mul3A_39 = arith.mulf %max3A_36, %max3A_36 : vector<8x384xf32>
      %add3A_40 = arith.addf %scan3A_25, %mul3A_39 : vector<8x384xf32>
      %mul3A_41 = arith.mulf %min3A_38, %min3A_38 : vector<8x384xf32>
      %add3A_42 = arith.addf %scan3A_26, %mul3A_41 : vector<8x384xf32>
      %add3A_43 = arith.constant 8 : i32
      %add3A_44 = arith.addi %mul3A_27, %add3A_43 : i32
      %get3A_45 = arith.index_cast %add3A_44 : i32 to index
      %get3A_46 = arith.constant 0 : index
      %get3A_47 = vector.load %arg1[%get3A_45, %get3A_46] : memref<8192x384xf32, #tpu.memory_space<vmem>>, vector<8x384xf32>
      %sub3A_48 = arith.constant 1.000000e+00 : f32
      %sub3A_49 = vector.broadcast %sub3A_48 : f32 to vector<8x384xf32>
      %sub3A_50 = arith.subf %get3A_47, %sub3A_49 : vector<8x384xf32>
      %max3A_51 = arith.constant 0.000000e+00 : f32
      %max3A_52 = vector.broadcast %max3A_51 : f32 to vector<8x384xf32>
      %max3A_53 = arith.maximumf %sub3A_50, %max3A_52 : vector<8x384xf32>
      %min3A_54 = arith.constant 0.000000e+00 : f32
      %min3A_55 = vector.broadcast %min3A_54 : f32 to vector<8x384xf32>
      %min3A_56 = arith.minimumf %get3A_47, %min3A_55 : vector<8x384xf32>
      %mul3A_57 = arith.mulf %max3A_53, %max3A_53 : vector<8x384xf32>
      %add3A_58 = arith.addf %add3A_40, %mul3A_57 : vector<8x384xf32>
      %mul3A_59 = arith.mulf %min3A_56, %min3A_56 : vector<8x384xf32>
      %add3A_60 = arith.addf %add3A_42, %mul3A_59 : vector<8x384xf32>
      %add3A_61 = arith.constant 16 : i32
      %add3A_62 = arith.addi %mul3A_27, %add3A_61 : i32
      %get3A_63 = arith.index_cast %add3A_62 : i32 to index
      %get3A_64 = arith.constant 0 : index
      %get3A_65 = vector.load %arg1[%get3A_63, %get3A_64] : memref<8192x384xf32, #tpu.memory_space<vmem>>, vector<8x384xf32>
      %sub3A_66 = arith.constant 1.000000e+00 : f32
      %sub3A_67 = vector.broadcast %sub3A_66 : f32 to vector<8x384xf32>
      %sub3A_68 = arith.subf %get3A_65, %sub3A_67 : vector<8x384xf32>
      %max3A_69 = arith.constant 0.000000e+00 : f32
      %max3A_70 = vector.broadcast %max3A_69 : f32 to vector<8x384xf32>
      %max3A_71 = arith.maximumf %sub3A_68, %max3A_70 : vector<8x384xf32>
      %min3A_72 = arith.constant 0.000000e+00 : f32
      %min3A_73 = vector.broadcast %min3A_72 : f32 to vector<8x384xf32>
      %min3A_74 = arith.minimumf %get3A_65, %min3A_73 : vector<8x384xf32>
      %mul3A_75 = arith.mulf %max3A_71, %max3A_71 : vector<8x384xf32>
      %add3A_76 = arith.addf %add3A_58, %mul3A_75 : vector<8x384xf32>
      %mul3A_77 = arith.mulf %min3A_74, %min3A_74 : vector<8x384xf32>
      %add3A_78 = arith.addf %add3A_60, %mul3A_77 : vector<8x384xf32>
      %add3A_79 = arith.constant 24 : i32
      %add3A_80 = arith.addi %mul3A_27, %add3A_79 : i32
      %get3A_81 = arith.index_cast %add3A_80 : i32 to index
      %get3A_82 = arith.constant 0 : index
      %get3A_83 = vector.load %arg1[%get3A_81, %get3A_82] : memref<8192x384xf32, #tpu.memory_space<vmem>>, vector<8x384xf32>
      %sub3A_84 = arith.constant 1.000000e+00 : f32
      %sub3A_85 = vector.broadcast %sub3A_84 : f32 to vector<8x384xf32>
      %sub3A_86 = arith.subf %get3A_83, %sub3A_85 : vector<8x384xf32>
      %max3A_87 = arith.constant 0.000000e+00 : f32
      %max3A_88 = vector.broadcast %max3A_87 : f32 to vector<8x384xf32>
      %max3A_89 = arith.maximumf %sub3A_86, %max3A_88 : vector<8x384xf32>
      %min3A_90 = arith.constant 0.000000e+00 : f32
      %min3A_91 = vector.broadcast %min3A_90 : f32 to vector<8x384xf32>
      %min3A_92 = arith.minimumf %get3A_83, %min3A_91 : vector<8x384xf32>
      %mul3A_93 = arith.mulf %max3A_89, %max3A_89 : vector<8x384xf32>
      %add3A_94 = arith.addf %add3A_76, %mul3A_93 : vector<8x384xf32>
      %mul3A_95 = arith.mulf %min3A_92, %min3A_92 : vector<8x384xf32>
      %add3A_96 = arith.addf %add3A_78, %mul3A_95 : vector<8x384xf32>
      %add3A_97 = arith.constant 32 : i32
      %add3A_98 = arith.addi %mul3A_27, %add3A_97 : i32
      %get3A_99 = arith.index_cast %add3A_98 : i32 to index
      %get3A_100 = arith.constant 0 : index
      %get3A_101 = vector.load %arg1[%get3A_99, %get3A_100] : memref<8192x384xf32, #tpu.memory_space<vmem>>, vector<8x384xf32>
      %sub3A_102 = arith.constant 1.000000e+00 : f32
      %sub3A_103 = vector.broadcast %sub3A_102 : f32 to vector<8x384xf32>
      %sub3A_104 = arith.subf %get3A_101, %sub3A_103 : vector<8x384xf32>
      %max3A_105 = arith.constant 0.000000e+00 : f32
      %max3A_106 = vector.broadcast %max3A_105 : f32 to vector<8x384xf32>
      %max3A_107 = arith.maximumf %sub3A_104, %max3A_106 : vector<8x384xf32>
      %min3A_108 = arith.constant 0.000000e+00 : f32
      %min3A_109 = vector.broadcast %min3A_108 : f32 to vector<8x384xf32>
      %min3A_110 = arith.minimumf %get3A_101, %min3A_109 : vector<8x384xf32>
      %mul3A_111 = arith.mulf %max3A_107, %max3A_107 : vector<8x384xf32>
      %add3A_112 = arith.addf %add3A_94, %mul3A_111 : vector<8x384xf32>
      %mul3A_113 = arith.mulf %min3A_110, %min3A_110 : vector<8x384xf32>
      %add3A_114 = arith.addf %add3A_96, %mul3A_113 : vector<8x384xf32>
      %add3A_115 = arith.constant 40 : i32
      %add3A_116 = arith.addi %mul3A_27, %add3A_115 : i32
      %get3A_117 = arith.index_cast %add3A_116 : i32 to index
      %get3A_118 = arith.constant 0 : index
      %get3A_119 = vector.load %arg1[%get3A_117, %get3A_118] : memref<8192x384xf32, #tpu.memory_space<vmem>>, vector<8x384xf32>
      %sub3A_120 = arith.constant 1.000000e+00 : f32
      %sub3A_121 = vector.broadcast %sub3A_120 : f32 to vector<8x384xf32>
      %sub3A_122 = arith.subf %get3A_119, %sub3A_121 : vector<8x384xf32>
      %max3A_123 = arith.constant 0.000000e+00 : f32
      %max3A_124 = vector.broadcast %max3A_123 : f32 to vector<8x384xf32>
      %max3A_125 = arith.maximumf %sub3A_122, %max3A_124 : vector<8x384xf32>
      %min3A_126 = arith.constant 0.000000e+00 : f32
      %min3A_127 = vector.broadcast %min3A_126 : f32 to vector<8x384xf32>
      %min3A_128 = arith.minimumf %get3A_119, %min3A_127 : vector<8x384xf32>
      %mul3A_129 = arith.mulf %max3A_125, %max3A_125 : vector<8x384xf32>
      %add3A_130 = arith.addf %add3A_112, %mul3A_129 : vector<8x384xf32>
      %mul3A_131 = arith.mulf %min3A_128, %min3A_128 : vector<8x384xf32>
      %add3A_132 = arith.addf %add3A_114, %mul3A_131 : vector<8x384xf32>
      %add3A_133 = arith.constant 48 : i32
      %add3A_134 = arith.addi %mul3A_27, %add3A_133 : i32
      %get3A_135 = arith.index_cast %add3A_134 : i32 to index
      %get3A_136 = arith.constant 0 : index
      %get3A_137 = vector.load %arg1[%get3A_135, %get3A_136] : memref<8192x384xf32, #tpu.memory_space<vmem>>, vector<8x384xf32>
      %sub3A_138 = arith.constant 1.000000e+00 : f32
      %sub3A_139 = vector.broadcast %sub3A_138 : f32 to vector<8x384xf32>
      %sub3A_140 = arith.subf %get3A_137, %sub3A_139 : vector<8x384xf32>
      %max3A_141 = arith.constant 0.000000e+00 : f32
      %max3A_142 = vector.broadcast %max3A_141 : f32 to vector<8x384xf32>
      %max3A_143 = arith.maximumf %sub3A_140, %max3A_142 : vector<8x384xf32>
      %min3A_144 = arith.constant 0.000000e+00 : f32
      %min3A_145 = vector.broadcast %min3A_144 : f32 to vector<8x384xf32>
      %min3A_146 = arith.minimumf %get3A_137, %min3A_145 : vector<8x384xf32>
      %mul3A_147 = arith.mulf %max3A_143, %max3A_143 : vector<8x384xf32>
      %add3A_148 = arith.addf %add3A_130, %mul3A_147 : vector<8x384xf32>
      %mul3A_149 = arith.mulf %min3A_146, %min3A_146 : vector<8x384xf32>
      %add3A_150 = arith.addf %add3A_132, %mul3A_149 : vector<8x384xf32>
      %add3A_151 = arith.constant 56 : i32
      %add3A_152 = arith.addi %mul3A_27, %add3A_151 : i32
      %get3A_153 = arith.index_cast %add3A_152 : i32 to index
      %get3A_154 = arith.constant 0 : index
      %get3A_155 = vector.load %arg1[%get3A_153, %get3A_154] : memref<8192x384xf32, #tpu.memory_space<vmem>>, vector<8x384xf32>
      %sub3A_156 = arith.constant 1.000000e+00 : f32
      %sub3A_157 = vector.broadcast %sub3A_156 : f32 to vector<8x384xf32>
      %sub3A_158 = arith.subf %get3A_155, %sub3A_157 : vector<8x384xf32>
      %max3A_159 = arith.constant 0.000000e+00 : f32
      %max3A_160 = vector.broadcast %max3A_159 : f32 to vector<8x384xf32>
      %max3A_161 = arith.maximumf %sub3A_158, %max3A_160 : vector<8x384xf32>
      %min3A_162 = arith.constant 0.000000e+00 : f32
      %min3A_163 = vector.broadcast %min3A_162 : f32 to vector<8x384xf32>
      %min3A_164 = arith.minimumf %get3A_155, %min3A_163 : vector<8x384xf32>
      %mul3A_165 = arith.mulf %max3A_161, %max3A_161 : vector<8x384xf32>
      %add3A_166 = arith.addf %add3A_148, %mul3A_165 : vector<8x384xf32>
      %mul3A_167 = arith.mulf %min3A_164, %min3A_164 : vector<8x384xf32>
      %add3A_168 = arith.addf %add3A_150, %mul3A_167 : vector<8x384xf32>
      scf.yield %add3A_166, %add3A_168 : vector<8x384xf32>, vector<8x384xf32>
    }
    %scan3A_5 = arith.constant 128 : i32
    %eq3A = arith.constant 0 : i32
    %eq3A_6 = arith.cmpi eq, %arg0, %eq3A : i32
    %convert_element_type3A = arith.extui %eq3A_6 : i1 to i32
    %cond3A = arith.constant 0 : i32
    %cond3A_7 = arith.cmpi ne, %convert_element_type3A, %cond3A : i32
    scf.if %cond3A_7 {
      %broadcast_in_dim3A_24 = arith.constant 0.000000e+00 : f32
      %broadcast_in_dim3A_25 = vector.broadcast %broadcast_in_dim3A_24 : f32 to vector<8x384xf32>
      %swap3A_26 = arith.constant 0 : index
      %swap3A_27 = arith.constant 0 : index
      %swap3A_28 = vector.load %arg3[%swap3A_26, %swap3A_27] : memref<8x384xf32, #tpu.memory_space<vmem>>, vector<8x384xf32>
      tpu.vector_store %arg3[%swap3A_26, %swap3A_27], %broadcast_in_dim3A_25 {strides = array<i32>} : memref<8x384xf32, #tpu.memory_space<vmem>>, vector<8x384xf32>,
      %broadcast_in_dim3A_29 = arith.constant 0.000000e+00 : f32
      %broadcast_in_dim3A_30 = vector.broadcast %broadcast_in_dim3A_29 : f32 to vector<8x384xf32>
      %swap3A_31 = arith.constant 0 : index
      %swap3A_32 = arith.constant 0 : index
      %swap3A_33 = vector.load %arg4[%swap3A_31, %swap3A_32] : memref<8x384xf32, #tpu.memory_space<vmem>>, vector<8x384xf32>
      tpu.vector_store %arg4[%swap3A_31, %swap3A_32], %broadcast_in_dim3A_30 {strides = array<i32>} : memref<8x384xf32, #tpu.memory_space<vmem>>, vector<8x384xf32>,
    } else {
    }
    %get3A = arith.constant 0 : index
    %get3A_8 = arith.constant 0 : index
    %get3A_9 = vector.load %arg3[%get3A, %get3A_8] : memref<8x384xf32, #tpu.memory_space<vmem>>, vector<8x384xf32>
    %add3A = arith.addf %get3A_9, %scan3A_4#0 : vector<8x384xf32>
    %swap3A = arith.constant 0 : index
    %swap3A_10 = arith.constant 0 : index
    %swap3A_11 = vector.load %arg3[%swap3A, %swap3A_10] : memref<8x384xf32, #tpu.memory_space<vmem>>, vector<8x384xf32>
    tpu.vector_store %arg3[%swap3A, %swap3A_10], %add3A {strides = array<i32>} : memref<8x384xf32, #tpu.memory_space<vmem>>, vector<8x384xf32>,
    %get3A_12 = arith.constant 0 : index
    %get3A_13 = arith.constant 0 : index
    %get3A_14 = vector.load %arg4[%get3A_12, %get3A_13] : memref<8x384xf32, #tpu.memory_space<vmem>>, vector<8x384xf32>
    %add3A_15 = arith.addf %get3A_14, %scan3A_4#1 : vector<8x384xf32>
    %swap3A_16 = arith.constant 0 : index
    %swap3A_17 = arith.constant 0 : index
    %swap3A_18 = vector.load %arg4[%swap3A_16, %swap3A_17] : memref<8x384xf32, #tpu.memory_space<vmem>>, vector<8x384xf32>
    tpu.vector_store %arg4[%swap3A_16, %swap3A_17], %add3A_15 {strides = array<i32>} : memref<8x384xf32, #tpu.memory_space<vmem>>, vector<8x384xf32>,
    %eq3A_19 = arith.constant 15 : i32
    %eq3A_20 = arith.cmpi eq, %arg0, %eq3A_19 : i32
    %convert_element_type3A_21 = arith.extui %eq3A_20 : i1 to i32
    %cond3A_22 = arith.constant 0 : i32
    %cond3A_23 = arith.cmpi ne, %convert_element_type3A_21, %cond3A_22 : i32
    scf.if %cond3A_23 {
      %get3A_24 = arith.constant 0 : index
      %get3A_25 = arith.constant 0 : index
      %get3A_26 = vector.load %arg3[%get3A_24, %get3A_25] : memref<8x384xf32, #tpu.memory_space<vmem>>, vector<8x384xf32>
      %reduce_sum3A = vector.shape_cast %get3A_26 : vector<8x384xf32> to vector<1x8x384xf32>
      %reduce_sum3A_27 = arith.constant dense<0.000000e+00> : vector<1xf32>
      %reduce_sum3A_28 = vector.multi_reduction <add>, %reduce_sum3A, %reduce_sum3A_27 [1, 2] : vector<1x8x384xf32> to vector<1xf32>
      %reduce_sum3A_29 = vector.shape_cast %reduce_sum3A_28 : vector<1xf32> to vector<1x1x1xf32>
      %reduce_sum3A_30 = vector.extract %reduce_sum3A_29[0, 0, 0] : f32 from vector<1x1x1xf32>
      %swap3A_31 = arith.constant 0 : index
      %swap3A_32 = arith.constant 0 : index
      %swap3A_33 = memref.load %arg2[%swap3A_31, %swap3A_32] : memref<1x2xf32, #tpu.memory_space<smem>>
      memref.store %reduce_sum3A_30, %arg2[%swap3A_31, %swap3A_32] : memref<1x2xf32, #tpu.memory_space<smem>>
      %get3A_34 = arith.constant 0 : index
      %get3A_35 = arith.constant 0 : index
      %get3A_36 = vector.load %arg4[%get3A_34, %get3A_35] : memref<8x384xf32, #tpu.memory_space<vmem>>, vector<8x384xf32>
      %reduce_sum3A_37 = vector.shape_cast %get3A_36 : vector<8x384xf32> to vector<1x8x384xf32>
      %reduce_sum3A_38 = arith.constant dense<0.000000e+00> : vector<1xf32>
      %reduce_sum3A_39 = vector.multi_reduction <add>, %reduce_sum3A_37, %reduce_sum3A_38 [1, 2] : vector<1x8x384xf32> to vector<1xf32>
      %reduce_sum3A_40 = vector.shape_cast %reduce_sum3A_39 : vector<1xf32> to vector<1x1x1xf32>
      %reduce_sum3A_41 = vector.extract %reduce_sum3A_40[0, 0, 0] : f32 from vector<1x1x1xf32>
      %swap3A_42 = arith.constant 0 : index
      %swap3A_43 = arith.constant 1 : index
      %swap3A_44 = memref.load %arg2[%swap3A_42, %swap3A_43] : memref<1x2xf32, #tpu.memory_space<smem>>
      memref.store %reduce_sum3A_41, %arg2[%swap3A_42, %swap3A_43] : memref<1x2xf32, #tpu.memory_space<smem>>
    } else {
    }
    return
  }
  func.func @transform_0(%arg0: i32) -> (i32, i32) {
    %c0_i32 = arith.constant 0 : i32
    %c0_i32_0 = arith.constant 0 : i32
    return %arg0, %c0_i32 : i32, i32
  }
  func.func @transform_1(%arg0: i32) -> (i32, i32) {
    %c0_i32 = arith.constant 0 : i32
    %c0_i32_0 = arith.constant 0 : i32
    %c0_i32_1 = arith.constant 0 : i32
    return %c0_i32, %c0_i32_0 : i32, i32
  }
}

</mosaic_0001>

<sc_bundles>
// kernel: kernel.4.cloned.1.call-start
scs
__scs_entry_jumppad:
0x0: {  	(pc) =	sbr.rel $0x88, $3  }
0x1: {  	(tag) =	ssettag $0x0;
	lr =	simm.s32 $0x1  }
0x2: {  	[smem:$0x3FA0] =	sst lr;
	_ =	strace $0xD0000000  }
0x3: {  	_ = 	snop  }
0x4: {  	_ = 	snop  }
0x5: {  	_ = 	snop  }
0x6: {  	_ = 	snop  }
0x7: {  	_ = 	snop  }
__scs_overlays_trampoline_lowered:
0x8: {  	[smem:$0x3FAF] =	sst s0  }
0x9: {  	[smem:$0x3FB0] =	sst s1  }
0xa: {  	[smem:$0x3FB1] =	sst s2  }
0xb: {  	[smem:$0x3FB2] =	sst s3  }
0xc: {  	[smem:$0x3FB3] =	sst s4  }
0xd: {  	[smem:$0x3FB4] =	sst s5  }
0xe: {  	[smem:$0x3FB5] =	sst s6  }
0xf: {  	[smem:$0x3FB6] =	sst s7  }
0x10: {  	[smem:$0x3FB7] =	sst s8  }
0x11: {  	[smem:$0x3FB8] =	sst s9;
	s0 =	simm.s32 @!p0 $0x0  }
0x12: {  	s1 =	sld [smem:$0x3F9E];
	s0 =	simm.s32 @p0 $0x1  }
0x13: {  	[smem:$0x3FB9] =	sst s0;
	s0 =	simm.s32 @!p1 $0x0  }
0x14: {  	s2 =	sld [smem:$0x3F9D];
	s0 =	simm.s32 @p1 $0x1  }
0x15: {  	[smem:$0x3FBA] =	sst s0;
	s0 =	simm.s32 @!p2 $0x0  }
0x16: {  	s3 =	sld [smem:$0x3FDB];
	s0 =	simm.s32 @p2 $0x1  }
0x17: {  	s4 =	simm.s32 $0x1BF5;
	[smem:$0x3FBC] =	sst s0  }
0x18: {  	s0 =	sld [smem:$0x3F9F];
	_ =	swait.ge [sflag:s4], $0x0  }
0x19: {  	s7 =	sld [smem:$0x3FA0]  }
0x1a: {  	s8 =	sadd.s32 $0xFFFFE003, lr  }
0x1b: {  	s9 =	sadd.s32 $0xFFFFFEF7, lr;
	s5 =	simm.s32 $0xFFFFFFFF;
	p2 =	slt.u32 s8, $0xFFFFF086  }
0x1c: {  	p1 =	slt.u32 s9, $0xF7A;
	s5 =	simm.s32 @!p2 $0x0  }
0x1d: {  	s5 =	simm.s32 @p1 $0x1;
	p0 =	seq.s32 s7, s2  }
0x1e: {  	s7 =	smul.u32 @!p0 $0xF7A, s2;
	p2 =	seq.s32 @!p0 s5, $0x0  }
0x1f: {  	s9 =	smul.u32 $0xF7A, s1;
	s8 =	simm.s32 @!p0 $0x1BF5;
	p2 =	por !p2, p0  }
0x20: {  	[sflag:s8] =	ssyncset.s32 @!p0 $0xFFFFF086;
	s6 =	sadd.s32 @!p0 s3, s7;
	s7 =	simm.s32 @!p0 $0x108  }
0x21: {  	s3 =	sadd.s32 s3, s9;
	s6 =	sadd.s32 @!p0 $0x88, s6;
	s7 =	simm.s32 @p2 $0x1082  }
0x22: {  	[simem:s7], [sflag:s8] =	dma.local @!p0 [hbm:s6], $0xF7A  }
0x23: {  	s9 =	sor.u32 $0xD0000000, s2;
	s6 =	simm.s32 $0x108;
	_ =	swait.ge @!p0 [sflag:s8], $0x0  }
0x24: {  	s3 =	sadd.s32 $0x88, s3;
	s6 =	simm.s32 @!p1 $0x1082;
	[sflag:s4] =	ssyncset.s32 $0xFFFFF086  }
0x25: {  	[simem:s6], [sflag:s4] =	dma.local [hbm:s3], $0xF7A  }
0x26: {  	[smem:$0x3FA0] =	sst s1;
	(tag) =	ssettag s2;
	_ =	strace s9  }
0x27: {  	s1 =	sld [smem:$0x3FB0]  }
0x28: {  	s2 =	sld [smem:$0x3FB1]  }
0x29: {  	s4 =	sld [smem:$0x3FB3]  }
0x2a: {  	p0 =	seq.s32 s5, $0x0;
	s5 =	sld [smem:$0x3FB4]  }
0x2b: {  	s6 =	sld [smem:$0x3FB5]  }
0x2c: {  	s7 =	sld [smem:$0x3FB6]  }
0x2d: {  	s3 =	simm.s32 $0x108;
	s8 =	sld [smem:$0x3FB7]  }
0x2e: {  	s3 =	simm.s32 @!p0 $0x1082;
	s9 =	sld [smem:$0x3FB8]  }
0x2f: {  	lr =	sadd.s32 s0, s3;
	s0 =	sld [smem:$0x3FAF]  }
0x30: {  	s3 =	sld [smem:$0x3FB2]  }
0x31: {  	[smem:$0x3FBB] =	sst s10  }
0x32: {  	s10 =	sld [smem:$0x3FB9];
	_ =	sdelay $0x3  }
0x33: {  	p0 =	seq.s32 s10, $0x1;
	s10 =	sld [smem:$0x3FBB];
	_ =	sdelay $0x3  }
0x34: {  	[smem:$0x3FBB] =	sst s10  }
0x35: {  	s10 =	sld [smem:$0x3FBA];
	_ =	sdelay $0x3  }
0x36: {  	p1 =	seq.s32 s10, $0x1;
	s10 =	sld [smem:$0x3FBB];
	_ =	sdelay $0x3  }
0x37: {  	[smem:$0x3FBB] =	sst s10  }
0x38: {  	s10 =	sld [smem:$0x3FBC]  }
0x39: {  	_ = 	snop;
	(pc) =	sbr.ind lr, $3  }
0x3a: {  	_ = 	snop  }
0x3b: {  	_ = 	snop  }
0x3c: {  	p2 =	seq.s32 s10, $0x1;
	s10 =	sld [smem:$0x3FBB]  }
0x3d: {  	_ =	shalt  }
0x3e: {  	_ =	shalt  }
0x3f: {  	_ =	shalt  }
0x40: {  	_ =	shalt  }
0x41: {  	_ =	shalt  }
0x42: {  	_ =	shalt  }
0x43: {  	_ =	shalt  }
0x44: {  	_ =	shalt  }
0x45: {  	_ =	shalt  }
0x46: {  	_ =	shalt  }
0x47: {  	_ =	shalt  }
0x48: {  	_ =	shalt  }
0x49: {  	_ =	shalt  }
0x4a: {  	_ =	shalt  }
0x4b: {  	_ =	shalt  }
0x4c: {  	_ =	shalt  }
0x4d: {  	_ =	shalt  }
0x4e: {  	_ =	shalt  }
0x4f: {  	_ =	shalt  }
0x50: {  	_ =	shalt  }
0x51: {  	_ =	shalt  }
0x52: {  	_ =	shalt  }
0x53: {  	_ =	shalt  }
0x54: {  	_ =	shalt  }
0x55: {  	_ =	shalt  }
0x56: {  	_ =	shalt  }
0x57: {  	_ =	shalt  }
0x58: {  	_ =	shalt  }
0x59: {  	_ =	shalt  }
0x5a: {  	_ =	shalt  }
0x5b: {  	_ =	shalt  }
0x5c: {  	_ =	shalt  }
0x5d: {  	_ =	shalt  }
0x5e: {  	_ =	shalt  }
0x5f: {  	_ =	shalt  }
0x60: {  	_ =	shalt  }
0x61: {  	_ =	shalt  }
0x62: {  	_ =	shalt  }
0x63: {  	_ =	shalt  }
0x64: {  	_ =	shalt  }
0x65: {  	_ =	shalt  }
0x66: {  	_ =	shalt  }
0x67: {  	_ =	shalt  }
0x68: {  	_ =	shalt  }
0x69: {  	_ =	shalt  }
0x6a: {  	_ =	shalt  }
0x6b: {  	_ =	shalt  }
0x6c: {  	_ =	shalt  }
0x6d: {  	_ =	shalt  }
0x6e: {  	_ =	shalt  }
0x6f: {  	_ =	shalt  }
0x70: {  	_ =	shalt  }
0x71: {  	_ =	shalt  }
0x72: {  	_ =	shalt  }
0x73: {  	_ =	shalt  }
0x74: {  	_ =	shalt  }
0x75: {  	_ =	shalt  }
0x76: {  	_ =	shalt  }
0x77: {  	_ =	shalt  }
0x78: {  	_ =	shalt  }
0x79: {  	_ =	shalt  }
0x7a: {  	_ =	shalt  }
0x7b: {  	_ =	shalt  }
0x7c: {  	_ =	shalt  }
0x7d: {  	_ =	shalt  }
0x7e: {  	_ =	shalt  }
0x7f: {  	_ =	shalt  }
0x80: {  	_ =	shalt  }
0x81: {  	_ =	shalt  }
0x82: {  	_ =	shalt  }
0x83: {  	_ =	shalt  }
0x84: {  	_ =	shalt  }
0x85: {  	_ =	shalt  }
0x86: {  	_ =	shalt  }
0x87: {  	_ =	shalt  }
.Lfunc_end0:
.L_simem_size_0:
called_computation_lowered:
.L_overlay_start_0:
0x88: {  	s2 =	sld [smem:$0x3FD9]  }
0x89: {  	s3 =	sld [smem:$0x3FFE];
	_ =	sdelay $0x1  }
0x8a: {  	s1 =	srdreg.scid  }
0x8b: {  	s0 =	sand.u32 $0x1, s1  }
0x8c: {  	s17 =	sshll.u32 s0, $0xA;
	s2 =	sadd.s32 s3, s2  }
0x8d: {  	s2 =	sadd.s32 s2, s17  }
0x8e: {  	[smem:$0x3FC7] =	sst s2  }
0x8f: {  	_ = 	snop  }
0x90: {  	s2 =	sld [smem:$0x3FC9];
	(tm) =	ssettm $0x1  }
0x91: {  	s18 =	sld [smem:$0x3FFB];
	_ =	sdelay $0x3  }
0x92: {  	_ =	strace s18  }
0x93: {  	s3 =	sld [smem:$0x3FFC];
	_ =	sdelay $0x3  }
0x94: {  	_ =	strace s3  }
0x95: {  	s3 =	sld [smem:$0x3FFD];
	_ =	sdelay $0x3  }
0x96: {  	_ =	strace s3  }
0x97: {  	_ =	strace $0x8FFFFFFF  }
0x98: {  	s19 =	sld [smem:$0x3FDB];
	_ =	sdelay $0x1  }
0x99: {  	s4 =	simm.s32 $_scs_section_size  }
0x9a: {  	s5 =	simm.s32 $_size__tile_overlayer_lowered;
	s6 =	simm.s32 $_tile_overlayer_lowered  }
0x9b: {  	s22 =	simm.s32 $0x1BFF;
	s21 =	sshll.u32 s6, $0x1;
	s3 =	sadd.s32 s4, s19  }
0x9c: {  	s7 =	simm.s32 $0x0;
	s20 =	sshll.u32 s5, $0x1;
	s5 =	sadd.s32 s21, s3  }
0x9d: {  	[timem:s7], [sflag:s22] =	dma.local [hbm:s5], s20  }
0x9e: {  	_ =	swait.ge [sflag:s22], s20  }
0x9f: {  	s4 =	ssub.s32 $0x0, s20;
	[sflag:s22] =	ssyncset.done $0x0  }
0xa0: {  	[sflag:s22] =	ssyncadd.s32 s4;
	_ =	sdelay $0x1  }
0xa1: {  	s23 =	simm.s32 $0x1B8B  }
0xa2: {  	_ =	swait.ge [sflag:s23], $0x1  }
0xa3: {  	[sflag:s23] =	ssyncset.done $0x0  }
0xa4: {  	s25 =	simm.s32 $0x1B8E;
	s24 =	sld [smem:$0x3FFE];
	[sflag:s23] =	ssyncadd.s32 $0xFFFFFFFF  }
0xa5: {  	s26 =	simm.s32 $execute0_lowered;
	[smem:$0x3FD2] =	sst s25  }
0xa6: {  	s5 =	sshll.u32 s26, $0x1;
	_ =	strace $0x80000046;
	[dreg:$0x1] =	wrdreg $0xFFFFFFFF  }
0xa7: {  	s28 =	simm.s32 $_size_execute0_lowered;
	s3 =	sadd.s32 s3, s5;
	[dreg:$0x0] =	wrdreg $0x0  }
0xa8: {  	s5 =	sshll.u32 s28, $0x1;
	[dreg:$0x2] =	wrdreg s3  }
0xa9: {  	[dreg:$0x3] =	wrdreg s5  }
0xaa: {  	[dreg:$0x4] =	wrdreg $0xC0  }
0xab: {  	_ =	task [dreg:s7], $0x5FFFF  }
0xac: {  	[dreg:$0x1] =	wrdreg $0xFFFFFFFF  }
0xad: {  	[dreg:$0x0] =	wrdreg $0x60  }
0xae: {  	[dreg:$0x2] =	wrdreg s2  }
0xaf: {  	[dreg:$0x3] =	wrdreg s24  }
0xb0: {  	[dreg:$0x4] =	wrdreg $0x9  }
0xb1: {  	_ =	task.clear_ibuf [dreg:s7], $0x5FFFF;
	_ =	strace $0x90000046  }
0xb2: {  	s29 =	simm.s32 $0x9;
	_ =	strace $0x80000048  }
0xb3: {  	_ =	swait.ge [sflag:s29], $0x1  }
0xb4: {  	[sflag:s29] =	ssyncadd.s32 $0xFFFFFFFF  }
0xb5: {  	_ =	strace $0x90000048  }
0xb6: {  	_ =	sfence  }
0xb7: {  	s30 =	sld [smem:$0x0];
	_ =	sdelay $0x2  }
0xb8: {  	s31 =	sshll.u32 s1, $0xD;
	s1 =	sshrl.u32 s1, $0x2  }
0xb9: {  	s3 =	sand.u32 $0x4000, s31;
	s1 =	sadd.s32 s1, s30  }
0xba: {  	s0 =	sor.u32 s3, s0;
	s1 =	sshll.u32 s1, $0x11  }
0xbb: {  	s0 =	sor.u32 s1, s0  }
0xbc: {  	s0 =	sadd.s32 $0x8F2B, s0  }
0xbd: {  	[sflag:s0] =	ssyncadd.remote.s32 $0x1  }
0xbe: {  	_ =	sfence.sel $0xFFFF  }
0xbf: {  	[dreg:$0x0] =	wrdreg $0xFFFFFFFF;
	(pc) =	sbr.abs _section_cstart, $3  }
0xc0: {  	[dreg:$0x1] =	wrdreg $0xFFFFFFFF  }
0xc1: {  	_ =	task.clear_ibuf [dreg:s7], $0x2FFFF;
	_ =	strace $0x9FFFFFFF  }
0xc2: {  	(tm) =	ssettm $0x7FFFFFFF  }
0xc3: {  	_ =	shalt  }
tec
execute0_lowered:
.L_overlay_start_1:
0x0: {  	(tag) =	ssettag $0x1  }
0x1: {  	s2 =	rddreg [dreg:$0x0];
	s1 =	srdreg.scid  }
0x2: {  	s0 =	stileid.u32;
	s8 =	rddreg [dreg:$0x1];
	s3 =	simm.s32 $0x0  }
0x3: {  	s12 =	simm.s32 $0x1;
	s13 =	simm.s32 $0x2;
	s14 =	simm.s32 $0x18000  }
0x4: {  	s15 =	simm.s32 $0x3;
	s16 =	simm.s32 $0x18080;
	s17 =	simm.s32 $0x0  }
0x5: {  	s4 =	sand.u32 $0x1, s1;
	s5 =	sshll.u32 s0, $0x1;
	s1 =	rddreg [dreg:$0x2]  }
0x6: {  	[smem:$0x7FF] =	sst s3;
	s6 =	sor.u32 s4, s5;
	s4 =	ssub.s32 $0x2, s4  }
0x7: {  	_ =	strace $0x80000047;
	s5 =	smul.u32 $0x6000, s6;
	s7 =	sshrl.u32 s4, $0x1  }
0x8: {  	s31 =	sshll.u32 s6, $0x6;
	s11 =	sshll.u32 s6, $0x4;
	s10 =	ssub.s32 s4, s7  }
0x9: {  	s6 =	sor.u32 $0x4020, s31;
	s8 =	sadd.s32 s8, s11;
	s9 =	sadd.s32 s5, s2  }
0xa: {  	s11 =	simm.s32 $0xC000;
	s10 =	smax.u32 s10, $0x1;
	s5 =	sadd.s32 $0x601800, s9  }
0xb: {  	s4 =	sadd.s32 $0x600000, s9;
	s7 =	sadd.s32 $0x604800, s9;
	s9 =	sadd.s32 $0x200, s8  }
.LBB2_1:
0xc: {  	[tilespmem:s3], [sflag:$0x1] =	stream.linear.gather [hbm4b:s4+s3], $0xC000, $0x38;
	[tilespmem:$0x18100] =	vst v63  }
0xd: {  	v4 =	vimm.f32 $0.0e+00;
	p1 =	por $0x1, $0x1;
	s18 =	simm.s32 $0x0  }
0xe: {  	v6 =	vimm.f32 $0.0e+00;
	v5 =	vimm.f32 $0.0e+00;
	v7 =	vimm.f32 $0.0e+00;
	[tilespmem:s11], [sflag:$0x2] =	stream.linear.gather [hbm4b:s5+s3], $0xC000, $0x38;
	[tilespmem:$0x18100] =	vst v63  }
.LBB2_2:
0xf: {  	s19 =	simm.s32 $0x0  }
0x10: {  	s20 =	smul.u32 $0x3000, s19  }
0x11: {  	_ =	swait.ge [sflag:s12], $0xC000;
	s19 =	simm.s32 $0x0  }
0x12: {  	[sflag:s12] =	ssyncset.done $0x0;
	s21 =	sand.u32 $0x380, s19;
	s20 =	sshra.s32 s20, $0x2  }
0x13: {  	[sflag:s12] =	ssyncadd.s32 $0xFFFF4000;
	s20 =	sor.u32 s21, s20  }
0x14: {  	v0 =	vld [tilespmem:s20+$0x860]  }
0x15: {  	v1 =	vld [tilespmem:s20+$0x870]  }
0x16: {  	v2 =	vld [tilespmem:s20+$0x840]  }
0x17: {  	v3 =	vld [tilespmem:s20+$0x850]  }
0x18: {  	v8 =	vld [tilespmem:s20+$0x820]  }
0x19: {  	v9 =	vld [tilespmem:s20+$0x830]  }
0x1a: {  	v10 =	vld [tilespmem:s20+$0x800]  }
0x1b: {  	v11 =	vld [tilespmem:s20+$0x810]  }
0x1c: {  	v12 =	vld [tilespmem:s20+$0x460]  }
0x1d: {  	v13 =	vld [tilespmem:s20+$0x470]  }
0x1e: {  	v14 =	vld [tilespmem:s20+$0x440]  }
0x1f: {  	v15 =	vld [tilespmem:s20+$0x450]  }
0x20: {  	v17 =	vld [tilespmem:s20+$0x420];
	v16 =	vmin.f32 v0, $0.0e+00;
	v23 =	vmin.f32 v1, $0.0e+00  }
0x21: {  	v32 =	vld [tilespmem:s20+$0x430];
	v38 =	vmin.f32 v2, $0.0e+00;
	v39 =	vmin.f32 v3, $0.0e+00;
	v18 =	vadd.f32 $-1.000000000e+00, v0  }
0x22: {  	v55 =	vld [tilespmem:s20+$0x40];
	v48 =	vmin.f32 v8, $0.0e+00;
	v50 =	vmin.f32 v9, $0.0e+00;
	v19 =	vadd.f32 $-1.000000000e+00, v1  }
0x23: {  	v58 =	vld [tilespmem:s20+$0x50];
	v51 =	vmin.f32 v10, $0.0e+00;
	v20 =	vadd.f32 $-1.000000000e+00, v2;
	v21 =	vadd.f32 $-1.000000000e+00, v3  }
0x24: {  	v35 =	vld [tilespmem:s20+$0x20];
	v52 =	vmin.f32 v11, $0.0e+00;
	v24 =	vadd.f32 $-1.000000000e+00, v8;
	v22 =	vadd.f32 $-1.000000000e+00, v9  }
0x25: {  	v41 =	vld [tilespmem:s20+$0x30];
	v53 =	vmin.f32 v12, $0.0e+00;
	v54 =	vmin.f32 v13, $0.0e+00;
	v25 =	vadd.f32 $-1.000000000e+00, v10  }
0x26: {  	v46 =	vld [tilespmem:s20+$0x0];
	v56 =	vmin.f32 v14, $0.0e+00;
	v57 =	vmin.f32 v15, $0.0e+00;
	v26 =	vadd.f32 $-1.000000000e+00, v11  }
0x27: {  	v47 =	vld [tilespmem:s20+$0x10];
	v59 =	vmin.f32 v17, $0.0e+00;
	v27 =	vadd.f32 $-1.000000000e+00, v12;
	v28 =	vadd.f32 $-1.000000000e+00, v13  }
0x28: {  	v0 =	vld [tilespmem:s20+$0x400];
	v60 =	vmin.f32 v32, $0.0e+00;
	v30 =	vadd.f32 $-1.000000000e+00, v14;
	v29 =	vadd.f32 $-1.000000000e+00, v15  }
0x29: {  	v1 =	vld [tilespmem:s20+$0x410];
	v31 =	vadd.f32 $-1.000000000e+00, v17;
	v34 =	vadd.f32 $-1.000000000e+00, v32;
	v45 =	vmin.f32 v55, $0.0e+00  }
0x2a: {  	v2 =	vld [tilespmem:s20+$0x60];
	v43 =	vmin.f32 v58, $0.0e+00;
	v8 =	vmul.f32 v48, v48;
	v10 =	vmul.f32 v51, v51  }
0x2b: {  	v3 =	vld [tilespmem:s20+$0x70];
	v49 =	vmin.f32 v35, $0.0e+00;
	v9 =	vmul.f32 v50, v50;
	v12 =	vmul.f32 v53, v53  }
0x2c: {  	v48 =	vmin.f32 v41, $0.0e+00;
	v11 =	vmul.f32 v52, v52;
	v14 =	vmul.f32 v56, v56  }
0x2d: {  	v13 =	vmul.f32 v54, v54;
	v50 =	vmin.f32 v46, $0.0e+00;
	v15 =	vmul.f32 v57, v57  }
0x2e: {  	v51 =	vmin.f32 v47, $0.0e+00;
	v17 =	vmul.f32 v60, v60;
	v61 =	vmin.f32 v0, $0.0e+00  }
0x2f: {  	v40 =	vmin.f32 v1, $0.0e+00;
	v44 =	vmin.f32 v2, $0.0e+00;
	v32 =	vadd.f32 $-1.000000000e+00, v0  }
0x30: {  	v42 =	vmin.f32 v3, $0.0e+00;
	v33 =	vadd.f32 $-1.000000000e+00, v1;
	v37 =	vadd.f32 $-1.000000000e+00, v2  }
0x31: {  	v0 =	vmul.f32 v16, v16;
	v36 =	vadd.f32 $-1.000000000e+00, v3;
	v2 =	vmul.f32 v38, v38  }
0x32: {  	v1 =	vmul.f32 v23, v23;
	v3 =	vmul.f32 v39, v39;
	v39 =	vadd.f32 $-1.000000000e+00, v55  }
0x33: {  	p0 =	por p1, p1;
	s20 =	simm.s32 $0x1;
	v38 =	vadd.f32 $-1.000000000e+00, v58;
	v16 =	vmul.f32 v59, v59;
	v23 =	vmul.f32 v61, v61  }
.LBB2_3:
0x34: {  	p1 =	sne.s32 s20, $0x7F;
	v52 =	vadd.f32 $-1.000000000e+00, v35;
	v44 =	vmul.f32 v44, v44;
	v40 =	vmul.f32 v40, v40  }
0x35: {  	v41 =	vadd.f32 $-1.000000000e+00, v41;
	v45 =	vmul.f32 v45, v45;
	v42 =	vmul.f32 v42, v42  }
0x36: {  	v46 =	vadd.f32 $-1.000000000e+00, v46;
	v49 =	vmul.f32 v49, v49;
	v43 =	vmul.f32 v43, v43  }
0x37: {  	v50 =	vmul.f32 v50, v50;
	v47 =	vadd.f32 $-1.000000000e+00, v47;
	v48 =	vmul.f32 v48, v48  }
0x38: {  	v51 =	vmul.f32 v51, v51;
	v35 =	vmax.f32 v18, $0.0e+00;
	v18 =	vmax.f32 v19, $0.0e+00  }
0x39: {  	v19 =	vmax.f32 v24, $0.0e+00;
	v20 =	vmax.f32 v20, $0.0e+00;
	v21 =	vmax.f32 v21, $0.0e+00  }
0x3a: {  	v24 =	vmax.f32 v25, $0.0e+00;
	v25 =	vmax.f32 v26, $0.0e+00;
	v22 =	vmax.f32 v22, $0.0e+00  }
0x3b: {  	v26 =	vmax.f32 v30, $0.0e+00;
	v27 =	vmax.f32 v27, $0.0e+00;
	v28 =	vmax.f32 v28, $0.0e+00  }
0x3c: {  	v30 =	vmax.f32 v31, $0.0e+00;
	v31 =	vmax.f32 v34, $0.0e+00;
	v29 =	vmax.f32 v29, $0.0e+00  }
0x3d: {  	v34 =	vmax.f32 v37, $0.0e+00;
	v32 =	vmax.f32 v32, $0.0e+00;
	v33 =	vmax.f32 v33, $0.0e+00  }
0x3e: {  	v39 =	vmax.f32 v39, $0.0e+00;
	v36 =	vmax.f32 v36, $0.0e+00;
	v37 =	vmax.f32 v46, $0.0e+00  }
0x3f: {  	v38 =	vmax.f32 v38, $0.0e+00;
	v46 =	vmax.f32 v47, $0.0e+00;
	v37 =	vmul.f32 v37, v37  }
0x40: {  	v47 =	vmax.f32 v52, $0.0e+00;
	v41 =	vmax.f32 v41, $0.0e+00;
	v46 =	vmul.f32 v46, v46  }
0x41: {  	v5 =	vadd.f32 v50, v5;
	v7 =	vadd.f32 v37, v7;
	v37 =	vmul.f32 v47, v47  }
0x42: {  	v4 =	vadd.f32 v51, v4;
	v41 =	vmul.f32 v41, v41;
	v6 =	vadd.f32 v46, v6  }
0x43: {  	v5 =	vadd.f32 v49, v5;
	v7 =	vadd.f32 v37, v7;
	v37 =	vmul.f32 v39, v39  }
0x44: {  	v38 =	vmul.f32 v38, v38;
	v4 =	vadd.f32 v48, v4;
	v6 =	vadd.f32 v41, v6  }
0x45: {  	v34 =	vmul.f32 v34, v34;
	v5 =	vadd.f32 v45, v5;
	v7 =	vadd.f32 v37, v7  }
0x46: {  	v36 =	vmul.f32 v36, v36;
	v4 =	vadd.f32 v43, v4;
	v6 =	vadd.f32 v38, v6  }
0x47: {  	s21 =	sshrl.u32 s20, $0x3;
	v32 =	vmul.f32 v32, v32;
	v5 =	vadd.f32 v44, v5;
	v7 =	vadd.f32 v34, v7  }
0x48: {  	s21 =	smul.u32 $0x3000, s21;
	v33 =	vmul.f32 v33, v33;
	v4 =	vadd.f32 v42, v4;
	v6 =	vadd.f32 v36, v6  }
0x49: {  	s19 =	sadd.s32 $0x80, s19;
	v5 =	vadd.f32 v23, v5;
	v23 =	vmul.f32 v30, v30;
	v7 =	vadd.f32 v32, v7  }
0x4a: {  	s22 =	sand.u32 $0x380, s19;
	s21 =	sshra.s32 s21, $0x2;
	v4 =	vadd.f32 v40, v4;
	v30 =	vmul.f32 v31, v31;
	v6 =	vadd.f32 v33, v6  }
0x4b: {  	s21 =	sor.u32 s22, s21;
	v5 =	vadd.f32 v16, v5;
	v16 =	vmul.f32 v26, v26;
	v7 =	vadd.f32 v23, v7  }
0x4c: {  	v4 =	vadd.f32 v17, v4;
	v17 =	vmul.f32 v29, v29;
	v6 =	vadd.f32 v30, v6;
	v23 =	vld [tilespmem:s21+$0x860]  }
0x4d: {  	v5 =	vadd.f32 v14, v5;
	v14 =	vmul.f32 v27, v27;
	v7 =	vadd.f32 v16, v7;
	v26 =	vld [tilespmem:s21+$0x870]  }
0x4e: {  	v4 =	vadd.f32 v15, v4;
	v15 =	vmul.f32 v28, v28;
	v6 =	vadd.f32 v17, v6;
	v16 =	vld [tilespmem:s21+$0x840]  }
0x4f: {  	v5 =	vadd.f32 v12, v5;
	v12 =	vmul.f32 v24, v24;
	v7 =	vadd.f32 v14, v7;
	v17 =	vld [tilespmem:s21+$0x850]  }
0x50: {  	v4 =	vadd.f32 v13, v4;
	v13 =	vmul.f32 v25, v25;
	v6 =	vadd.f32 v15, v6;
	v14 =	vld [tilespmem:s21+$0x820]  }
0x51: {  	v5 =	vadd.f32 v10, v5;
	v10 =	vmul.f32 v19, v19;
	v7 =	vadd.f32 v12, v7;
	v15 =	vld [tilespmem:s21+$0x830]  }
0x52: {  	v4 =	vadd.f32 v11, v4;
	v11 =	vmul.f32 v22, v22;
	v6 =	vadd.f32 v13, v6;
	v12 =	vld [tilespmem:s21+$0x800]  }
0x53: {  	v5 =	vadd.f32 v8, v5;
	v8 =	vmul.f32 v20, v20;
	v7 =	vadd.f32 v10, v7;
	v13 =	vld [tilespmem:s21+$0x810]  }
0x54: {  	v4 =	vadd.f32 v9, v4;
	v9 =	vmul.f32 v21, v21;
	v6 =	vadd.f32 v11, v6;
	v10 =	vld [tilespmem:s21+$0x460]  }
0x55: {  	v2 =	vadd.f32 v2, v5;
	v5 =	vmul.f32 v35, v35;
	v7 =	vadd.f32 v8, v7;
	v11 =	vld [tilespmem:s21+$0x470]  }
0x56: {  	v3 =	vadd.f32 v3, v4;
	v4 =	vmul.f32 v18, v18;
	v6 =	vadd.f32 v9, v6;
	v8 =	vld [tilespmem:s21+$0x440]  }
0x57: {  	v7 =	vadd.f32 v5, v7;
	v5 =	vadd.f32 v0, v2;
	v36 =	vmin.f32 v23, $0.0e+00;
	v9 =	vld [tilespmem:s21+$0x450]  }
0x58: {  	v6 =	vadd.f32 v4, v6;
	v4 =	vadd.f32 v1, v3;
	v38 =	vmin.f32 v26, $0.0e+00;
	v0 =	vld [tilespmem:s21+$0x420]  }
0x59: {  	v18 =	vadd.f32 $-1.000000000e+00, v23;
	v2 =	vmin.f32 v16, $0.0e+00;
	v3 =	vmin.f32 v17, $0.0e+00;
	v1 =	vld [tilespmem:s21+$0x430]  }
0x5a: {  	v19 =	vadd.f32 $-1.000000000e+00, v26;
	v39 =	vmin.f32 v14, $0.0e+00;
	v50 =	vmin.f32 v15, $0.0e+00;
	v23 =	vld [tilespmem:s21+$0x400]  }
0x5b: {  	v20 =	vadd.f32 $-1.000000000e+00, v16;
	v21 =	vadd.f32 $-1.000000000e+00, v17;
	v51 =	vmin.f32 v12, $0.0e+00;
	v33 =	vld [tilespmem:s21+$0x410]  }
0x5c: {  	v24 =	vadd.f32 $-1.000000000e+00, v14;
	v22 =	vadd.f32 $-1.000000000e+00, v15;
	v17 =	vmin.f32 v13, $0.0e+00;
	v16 =	vld [tilespmem:s21+$0x60]  }
0x5d: {  	v25 =	vadd.f32 $-1.000000000e+00, v12;
	v15 =	vmin.f32 v10, $0.0e+00;
	v52 =	vmin.f32 v11, $0.0e+00;
	v14 =	vld [tilespmem:s21+$0x70]  }
0x5e: {  	v26 =	vadd.f32 $-1.000000000e+00, v13;
	v53 =	vmin.f32 v8, $0.0e+00;
	v54 =	vmin.f32 v9, $0.0e+00;
	v12 =	vld [tilespmem:s21+$0x40]  }
0x5f: {  	v27 =	vadd.f32 $-1.000000000e+00, v10;
	v28 =	vadd.f32 $-1.000000000e+00, v11;
	v55 =	vmin.f32 v0, $0.0e+00;
	v13 =	vld [tilespmem:s21+$0x50]  }
0x60: {  	v30 =	vadd.f32 $-1.000000000e+00, v8;
	v29 =	vadd.f32 $-1.000000000e+00, v9;
	v56 =	vmin.f32 v1, $0.0e+00  }
0x61: {  	v31 =	vadd.f32 $-1.000000000e+00, v0;
	v57 =	vmin.f32 v23, $0.0e+00;
	v40 =	vmin.f32 v33, $0.0e+00;
	v35 =	vld [tilespmem:s21+$0x20]  }
0x62: {  	v34 =	vadd.f32 $-1.000000000e+00, v1;
	v44 =	vmin.f32 v16, $0.0e+00;
	v41 =	vld [tilespmem:s21+$0x30];
	v42 =	vmin.f32 v14, $0.0e+00  }
0x63: {  	v32 =	vadd.f32 $-1.000000000e+00, v23;
	v33 =	vadd.f32 $-1.000000000e+00, v33;
	v45 =	vmin.f32 v12, $0.0e+00  }
0x64: {  	v0 =	vmul.f32 v36, v36;
	v37 =	vadd.f32 $-1.000000000e+00, v16;
	v43 =	vmin.f32 v13, $0.0e+00  }
0x65: {  	v2 =	vmul.f32 v2, v2;
	v1 =	vmul.f32 v38, v38;
	v36 =	vadd.f32 $-1.000000000e+00, v14;
	v46 =	vld [tilespmem:s21+$0x0]  }
0x66: {  	v3 =	vmul.f32 v3, v3;
	v8 =	vmul.f32 v39, v39;
	v47 =	vld [tilespmem:s21+$0x10];
	v49 =	vmin.f32 v35, $0.0e+00  }
.Ltmp0:
0x67: {  	v10 =	vmul.f32 v51, v51;
	v9 =	vmul.f32 v50, v50;
	v48 =	vmin.f32 v41, $0.0e+00;
	(pc) =	sbr.rel @p1 .LBB2_3-.Ltmp0, $4  }
0x68: {  	v11 =	vmul.f32 v17, v17;
	v39 =	vadd.f32 $-1.000000000e+00, v12;
	v12 =	vmul.f32 v15, v15  }
0x69: {  	v14 =	vmul.f32 v53, v53;
	v38 =	vadd.f32 $-1.000000000e+00, v13;
	v13 =	vmul.f32 v52, v52  }
0x6a: {  	v16 =	vmul.f32 v55, v55;
	v15 =	vmul.f32 v54, v54;
	v50 =	vmin.f32 v46, $0.0e+00  }
0x6b: {  	s20 =	sadd.s32 $0x1, s20;
	v17 =	vmul.f32 v56, v56;
	v23 =	vmul.f32 v57, v57;
	v51 =	vmin.f32 v47, $0.0e+00  }
0x6c: {  	v35 =	vadd.f32 $-1.000000000e+00, v35;
	v44 =	vmul.f32 v44, v44;
	v40 =	vmul.f32 v40, v40  }
0x6d: {  	v41 =	vadd.f32 $-1.000000000e+00, v41;
	v45 =	vmul.f32 v45, v45;
	v42 =	vmul.f32 v42, v42  }
0x6e: {  	v46 =	vadd.f32 $-1.000000000e+00, v46;
	v49 =	vmul.f32 v49, v49;
	v43 =	vmul.f32 v43, v43  }
0x6f: {  	v50 =	vmul.f32 v50, v50;
	v47 =	vadd.f32 $-1.000000000e+00, v47;
	v48 =	vmul.f32 v48, v48  }
0x70: {  	v51 =	vmul.f32 v51, v51;
	v18 =	vmax.f32 v18, $0.0e+00;
	v19 =	vmax.f32 v19, $0.0e+00  }
0x71: {  	v24 =	vmax.f32 v24, $0.0e+00;
	v20 =	vmax.f32 v20, $0.0e+00;
	v21 =	vmax.f32 v21, $0.0e+00  }
0x72: {  	v25 =	vmax.f32 v25, $0.0e+00;
	v26 =	vmax.f32 v26, $0.0e+00;
	v22 =	vmax.f32 v22, $0.0e+00  }
0x73: {  	v30 =	vmax.f32 v30, $0.0e+00;
	v27 =	vmax.f32 v27, $0.0e+00;
	v28 =	vmax.f32 v28, $0.0e+00;
	s18 =	sor.u32 s6, s18  }
0x74: {  	v31 =	vmax.f32 v31, $0.0e+00;
	v34 =	vmax.f32 v34, $0.0e+00;
	v29 =	vmax.f32 v29, $0.0e+00;
	s18 =	smul.u32 $0x180, s18  }
0x75: {  	v37 =	vmax.f32 v37, $0.0e+00;
	v32 =	vmax.f32 v32, $0.0e+00;
	v39 =	vmax.f32 v39, $0.0e+00  }
0x76: {  	v33 =	vmax.f32 v33, $0.0e+00;
	v38 =	vmax.f32 v38, $0.0e+00;
	s31 =	simm.s32 $0x0;
	v58 =	vmul.f32 v39, v39;
	s19 =	sadd.s32 s2, s18;
	s18 =	simm.s32 $0x0  }
0x77: {  	v36 =	vmax.f32 v36, $0.0e+00;
	v38 =	vmul.f32 v38, v38;
	v59 =	vmul.f32 v37, v37;
	[tilespmem:s18], [sflag:$0x1] =	stream.linear.gather [hbm4b:s19+s18], $0xC000, $0x38;
	[tilespmem:$0x18100] =	vst v63  }
0x78: {  	v46 =	vmax.f32 v46, $0.0e+00;
	v47 =	vmax.f32 v47, $0.0e+00;
	v5 =	vadd.f32 v50, v5;
	s19 =	smul.u32 $0x3000, s31  }
0x79: {  	v35 =	vmax.f32 v35, $0.0e+00;
	v4 =	vadd.f32 v51, v4;
	v46 =	vmul.f32 v46, v46;
	_ =	swait.ge [sflag:s13], $0xC000  }
0x7a: {  	v41 =	vmax.f32 v41, $0.0e+00;
	v47 =	vmul.f32 v47, v47;
	v5 =	vadd.f32 v49, v5;
	s20 =	sand.u32 $0x380, s18;
	[sflag:s13] =	ssyncset.done $0x0;
	s19 =	sshra.s32 s19, $0x2  }
0x7b: {  	v35 =	vmul.f32 v35, v35;
	v4 =	vadd.f32 v48, v4;
	v7 =	vadd.f32 v46, v7;
	[sflag:s13] =	ssyncadd.s32 $0xFFFF4000;
	s19 =	sor.u32 s20, s19  }
0x7c: {  	v41 =	vmul.f32 v41, v41;
	v6 =	vadd.f32 v47, v6;
	v5 =	vadd.f32 v45, v5;
	v60 =	vld [tilespmem:s19+$0xC400]  }
0x7d: {  	v36 =	vmul.f32 v36, v36;
	v4 =	vadd.f32 v43, v4;
	v7 =	vadd.f32 v35, v7;
	v55 =	vld [tilespmem:s19+$0xC050]  }
0x7e: {  	v32 =	vmul.f32 v32, v32;
	v6 =	vadd.f32 v41, v6;
	v5 =	vadd.f32 v44, v5;
	v35 =	vld [tilespmem:s19+$0xC020]  }
0x7f: {  	v33 =	vmul.f32 v33, v33;
	v4 =	vadd.f32 v42, v4;
	v41 =	vld [tilespmem:s19+$0xC030];
	v7 =	vadd.f32 v58, v7  }
0x80: {  	v31 =	vmul.f32 v31, v31;
	v46 =	vld [tilespmem:s19+$0xC000];
	v6 =	vadd.f32 v38, v6;
	v5 =	vadd.f32 v23, v5  }
0x81: {  	v30 =	vmul.f32 v30, v30;
	v47 =	vld [tilespmem:s19+$0xC010];
	v4 =	vadd.f32 v40, v4;
	v7 =	vadd.f32 v59, v7  }
0x82: {  	v23 =	vmul.f32 v34, v34;
	v6 =	vadd.f32 v36, v6;
	v5 =	vadd.f32 v16, v5  }
0x83: {  	v16 =	vmul.f32 v29, v29;
	v4 =	vadd.f32 v17, v4;
	v7 =	vadd.f32 v32, v7  }
0x84: {  	v17 =	vmul.f32 v27, v27;
	v6 =	vadd.f32 v33, v6;
	v32 =	vadd.f32 $-1.000000000e+00, v60  }
0x85: {  	v43 =	vmin.f32 v55, $0.0e+00;
	v49 =	vmin.f32 v35, $0.0e+00;
	v48 =	vmin.f32 v41, $0.0e+00  }
0x86: {  	v50 =	vmin.f32 v46, $0.0e+00;
	v51 =	vmin.f32 v47, $0.0e+00;
	v5 =	vadd.f32 v14, v5  }
0x87: {  	v14 =	vmul.f32 v28, v28;
	v4 =	vadd.f32 v15, v4;
	v7 =	vadd.f32 v31, v7  }
0x88: {  	v15 =	vmul.f32 v25, v25;
	v6 =	vadd.f32 v23, v6;
	v23 =	vld [tilespmem:s19+$0xC860];
	v5 =	vadd.f32 v12, v5  }
0x89: {  	v12 =	vmul.f32 v26, v26;
	v4 =	vadd.f32 v13, v4;
	v7 =	vadd.f32 v30, v7  }
0x8a: {  	v13 =	vmul.f32 v24, v24;
	v24 =	vld [tilespmem:s19+$0xC470];
	v6 =	vadd.f32 v16, v6;
	v5 =	vadd.f32 v10, v5  }
0x8b: {  	v16 =	vld [tilespmem:s19+$0xC870];
	v10 =	vmul.f32 v22, v22;
	v4 =	vadd.f32 v11, v4;
	v7 =	vadd.f32 v17, v7  }
0x8c: {  	v11 =	vmul.f32 v20, v20;
	v17 =	vld [tilespmem:s19+$0xC840];
	v6 =	vadd.f32 v14, v6;
	v5 =	vadd.f32 v8, v5  }
0x8d: {  	v14 =	vld [tilespmem:s19+$0xC850];
	v4 =	vadd.f32 v9, v4;
	v9 =	vmul.f32 v18, v18;
	v18 =	vadd.f32 $-1.000000000e+00, v23  }
0x8e: {  	v8 =	vmul.f32 v21, v21;
	v7 =	vadd.f32 v15, v7;
	v15 =	vld [tilespmem:s19+$0xC820];
	v6 =	vadd.f32 v12, v6  }
0x8f: {  	v12 =	vld [tilespmem:s19+$0xC830];
	v52 =	vmin.f32 v24, $0.0e+00;
	v28 =	vadd.f32 $-1.000000000e+00, v24;
	v24 =	vmin.f32 v60, $0.0e+00  }
0x90: {  	v2 =	vadd.f32 v2, v5;
	v3 =	vadd.f32 v3, v4;
	v4 =	vld [tilespmem:s19+$0xC440];
	v24 =	vmul.f32 v24, v24  }
0x91: {  	v7 =	vadd.f32 v13, v7;
	v13 =	vld [tilespmem:s19+$0xC800];
	v6 =	vadd.f32 v10, v6;
	v38 =	vmin.f32 v17, $0.0e+00  }
0x92: {  	v10 =	vld [tilespmem:s19+$0xC810];
	v39 =	vmin.f32 v14, $0.0e+00;
	v20 =	vadd.f32 $-1.000000000e+00, v17;
	v21 =	vadd.f32 $-1.000000000e+00, v14  }
0x93: {  	v14 =	vld [tilespmem:s19+$0xC060];
	v7 =	vadd.f32 v11, v7;
	v5 =	vadd.f32 v8, v6;
	v8 =	vmul.f32 v19, v19  }
0x94: {  	v11 =	vld [tilespmem:s19+$0xC460];
	v19 =	vadd.f32 $-1.000000000e+00, v16;
	v61 =	vmin.f32 v15, $0.0e+00;
	v22 =	vadd.f32 $-1.000000000e+00, v12  }
0x95: {  	v62 =	vmin.f32 v12, $0.0e+00;
	v12 =	vld [tilespmem:s19+$0xC070];
	v6 =	vadd.f32 v9, v7;
	v7 =	vadd.f32 v0, v2  }
0x96: {  	v8 =	vadd.f32 v8, v5;
	v0 =	vld [tilespmem:s19+$0xC450];
	v9 =	vadd.f32 v1, v3;
	v1 =	vmin.f32 v23, $0.0e+00  }
0x97: {  	v2 =	vld [tilespmem:s19+$0xC420];
	v3 =	vmin.f32 v16, $0.0e+00;
	v23 =	vadd.f32 $-1.000000000e+00, v15;
	v53 =	vmin.f32 v4, $0.0e+00  }
0x98: {  	v5 =	vld [tilespmem:s19+$0xC430];
	v30 =	vadd.f32 $-1.000000000e+00, v4;
	v4 =	vmul.f32 v61, v61;
	v63 =	vmin.f32 v13, $0.0e+00  }
0x99: {  	v16 =	vld [tilespmem:s19+$0xC410];
	v17 =	vmin.f32 v10, $0.0e+00;
	v25 =	vadd.f32 $-1.000000000e+00, v13;
	v26 =	vadd.f32 $-1.000000000e+00, v10  }
0x9a: {  	v44 =	vmin.f32 v14, $0.0e+00;
	v37 =	vadd.f32 $-1.000000000e+00, v14;
	v10 =	vmul.f32 v63, v63  }
0x9b: {  	v14 =	vmul.f32 v53, v53;
	v15 =	vmin.f32 v11, $0.0e+00;
	v27 =	vadd.f32 $-1.000000000e+00, v11  }
0x9c: {  	v13 =	vld [tilespmem:s19+$0xC040];
	v11 =	vmul.f32 v17, v17;
	v42 =	vmin.f32 v12, $0.0e+00;
	v36 =	vadd.f32 $-1.000000000e+00, v12  }
0x9d: {  	v12 =	vmul.f32 v15, v15;
	v54 =	vmin.f32 v0, $0.0e+00;
	v56 =	vmin.f32 v2, $0.0e+00  }
0x9e: {  	v57 =	vmin.f32 v5, $0.0e+00;
	v29 =	vadd.f32 $-1.000000000e+00, v0;
	v40 =	vmin.f32 v16, $0.0e+00  }
0x9f: {  	v31 =	vadd.f32 $-1.000000000e+00, v2;
	v34 =	vadd.f32 $-1.000000000e+00, v5;
	v0 =	vmul.f32 v1, v1  }
0xa0: {  	v33 =	vadd.f32 $-1.000000000e+00, v16;
	v2 =	vmul.f32 v38, v38;
	v1 =	vmul.f32 v3, v3  }
0xa1: {  	v3 =	vmul.f32 v39, v39;
	v5 =	vmul.f32 v62, v62;
	v45 =	vmin.f32 v13, $0.0e+00  }
0xa2: {  	v39 =	vadd.f32 $-1.000000000e+00, v13;
	v13 =	vmul.f32 v52, v52;
	v16 =	vmul.f32 v56, v56  }
0xa3: {  	s19 =	simm.s32 $0x1;
	v38 =	vadd.f32 $-1.000000000e+00, v55;
	v15 =	vmul.f32 v54, v54;
	v17 =	vmul.f32 v57, v57  }
.LBB2_5:
0xa4: {  	p1 =	sne.s32 s19, $0x7F;
	v52 =	vadd.f32 $-1.000000000e+00, v35;
	v44 =	vmul.f32 v44, v44;
	v40 =	vmul.f32 v40, v40  }
0xa5: {  	v41 =	vadd.f32 $-1.000000000e+00, v41;
	v45 =	vmul.f32 v45, v45;
	v42 =	vmul.f32 v42, v42  }
0xa6: {  	v46 =	vadd.f32 $-1.000000000e+00, v46;
	v49 =	vmul.f32 v49, v49;
	v43 =	vmul.f32 v43, v43  }
0xa7: {  	v50 =	vmul.f32 v50, v50;
	v47 =	vadd.f32 $-1.000000000e+00, v47;
	v48 =	vmul.f32 v48, v48  }
0xa8: {  	v51 =	vmul.f32 v51, v51;
	v35 =	vmax.f32 v18, $0.0e+00;
	v18 =	vmax.f32 v19, $0.0e+00  }
0xa9: {  	v19 =	vmax.f32 v23, $0.0e+00;
	v20 =	vmax.f32 v20, $0.0e+00;
	v21 =	vmax.f32 v21, $0.0e+00  }
0xaa: {  	v23 =	vmax.f32 v25, $0.0e+00;
	v25 =	vmax.f32 v26, $0.0e+00;
	v22 =	vmax.f32 v22, $0.0e+00  }
0xab: {  	v26 =	vmax.f32 v30, $0.0e+00;
	v27 =	vmax.f32 v27, $0.0e+00;
	v28 =	vmax.f32 v28, $0.0e+00  }
0xac: {  	v30 =	vmax.f32 v31, $0.0e+00;
	v31 =	vmax.f32 v34, $0.0e+00;
	v29 =	vmax.f32 v29, $0.0e+00  }
0xad: {  	v34 =	vmax.f32 v37, $0.0e+00;
	v32 =	vmax.f32 v32, $0.0e+00;
	v33 =	vmax.f32 v33, $0.0e+00  }
0xae: {  	v39 =	vmax.f32 v39, $0.0e+00;
	v36 =	vmax.f32 v36, $0.0e+00;
	v37 =	vmax.f32 v46, $0.0e+00  }
0xaf: {  	v38 =	vmax.f32 v38, $0.0e+00;
	v46 =	vmax.f32 v47, $0.0e+00;
	v37 =	vmul.f32 v37, v37  }
0xb0: {  	v47 =	vmax.f32 v52, $0.0e+00;
	v41 =	vmax.f32 v41, $0.0e+00;
	v46 =	vmul.f32 v46, v46  }
0xb1: {  	v7 =	vadd.f32 v50, v7;
	v6 =	vadd.f32 v37, v6;
	v37 =	vmul.f32 v47, v47  }
0xb2: {  	v9 =	vadd.f32 v51, v9;
	v41 =	vmul.f32 v41, v41;
	v8 =	vadd.f32 v46, v8  }
0xb3: {  	v7 =	vadd.f32 v49, v7;
	v6 =	vadd.f32 v37, v6;
	v37 =	vmul.f32 v39, v39  }
0xb4: {  	v38 =	vmul.f32 v38, v38;
	v9 =	vadd.f32 v48, v9;
	v8 =	vadd.f32 v41, v8  }
0xb5: {  	v34 =	vmul.f32 v34, v34;
	v7 =	vadd.f32 v45, v7;
	v6 =	vadd.f32 v37, v6  }
0xb6: {  	v36 =	vmul.f32 v36, v36;
	v9 =	vadd.f32 v43, v9;
	v8 =	vadd.f32 v38, v8  }
0xb7: {  	s20 =	sshrl.u32 s19, $0x3;
	v32 =	vmul.f32 v32, v32;
	v7 =	vadd.f32 v44, v7;
	v6 =	vadd.f32 v34, v6  }
0xb8: {  	s20 =	smul.u32 $0x3000, s20;
	v33 =	vmul.f32 v33, v33;
	v9 =	vadd.f32 v42, v9;
	v8 =	vadd.f32 v36, v8  }
0xb9: {  	s18 =	sadd.s32 $0x80, s18;
	v7 =	vadd.f32 v24, v7;
	v24 =	vmul.f32 v30, v30;
	v6 =	vadd.f32 v32, v6  }
0xba: {  	s21 =	sand.u32 $0x380, s18;
	s20 =	sshra.s32 s20, $0x2;
	v9 =	vadd.f32 v40, v9;
	v30 =	vmul.f32 v31, v31;
	v8 =	vadd.f32 v33, v8  }
0xbb: {  	s20 =	sor.u32 s21, s20;
	v7 =	vadd.f32 v16, v7;
	v16 =	vmul.f32 v26, v26;
	v6 =	vadd.f32 v24, v6  }
0xbc: {  	v9 =	vadd.f32 v17, v9;
	v17 =	vmul.f32 v29, v29;
	v8 =	vadd.f32 v30, v8;
	v24 =	vld [tilespmem:s20+$0xC860]  }
0xbd: {  	v7 =	vadd.f32 v14, v7;
	v14 =	vmul.f32 v27, v27;
	v6 =	vadd.f32 v16, v6;
	v26 =	vld [tilespmem:s20+$0xC870]  }
0xbe: {  	v9 =	vadd.f32 v15, v9;
	v15 =	vmul.f32 v28, v28;
	v8 =	vadd.f32 v17, v8;
	v16 =	vld [tilespmem:s20+$0xC840]  }
0xbf: {  	v7 =	vadd.f32 v12, v7;
	v12 =	vmul.f32 v23, v23;
	v6 =	vadd.f32 v14, v6;
	v17 =	vld [tilespmem:s20+$0xC850]  }
0xc0: {  	v9 =	vadd.f32 v13, v9;
	v13 =	vmul.f32 v25, v25;
	v8 =	vadd.f32 v15, v8;
	v14 =	vld [tilespmem:s20+$0xC820]  }
0xc1: {  	v7 =	vadd.f32 v10, v7;
	v10 =	vmul.f32 v19, v19;
	v6 =	vadd.f32 v12, v6;
	v15 =	vld [tilespmem:s20+$0xC830]  }
0xc2: {  	v9 =	vadd.f32 v11, v9;
	v11 =	vmul.f32 v22, v22;
	v8 =	vadd.f32 v13, v8;
	v12 =	vld [tilespmem:s20+$0xC800]  }
0xc3: {  	v4 =	vadd.f32 v4, v7;
	v7 =	vmul.f32 v20, v20;
	v6 =	vadd.f32 v10, v6;
	v13 =	vld [tilespmem:s20+$0xC810]  }
0xc4: {  	v5 =	vadd.f32 v5, v9;
	v9 =	vmul.f32 v21, v21;
	v8 =	vadd.f32 v11, v8;
	v10 =	vld [tilespmem:s20+$0xC460]  }
0xc5: {  	v2 =	vadd.f32 v2, v4;
	v4 =	vmul.f32 v35, v35;
	v6 =	vadd.f32 v7, v6;
	v11 =	vld [tilespmem:s20+$0xC470]  }
0xc6: {  	v3 =	vadd.f32 v3, v5;
	v5 =	vmul.f32 v18, v18;
	v8 =	vadd.f32 v9, v8;
	v29 =	vld [tilespmem:s20+$0xC440]  }
0xc7: {  	v7 =	vadd.f32 v0, v2;
	v6 =	vadd.f32 v4, v6;
	v36 =	vmin.f32 v24, $0.0e+00;
	v31 =	vld [tilespmem:s20+$0xC450]  }
0xc8: {  	v9 =	vadd.f32 v1, v3;
	v8 =	vadd.f32 v5, v8;
	v4 =	vmin.f32 v26, $0.0e+00;
	v0 =	vld [tilespmem:s20+$0xC420]  }
0xc9: {  	v18 =	vadd.f32 $-1.000000000e+00, v24;
	v2 =	vmin.f32 v16, $0.0e+00;
	v3 =	vmin.f32 v17, $0.0e+00;
	v1 =	vld [tilespmem:s20+$0xC430]  }
0xca: {  	v19 =	vadd.f32 $-1.000000000e+00, v26;
	v24 =	vmin.f32 v14, $0.0e+00;
	v38 =	vmin.f32 v15, $0.0e+00;
	v5 =	vld [tilespmem:s20+$0xC400]  }
0xcb: {  	v20 =	vadd.f32 $-1.000000000e+00, v16;
	v21 =	vadd.f32 $-1.000000000e+00, v17;
	v39 =	vmin.f32 v12, $0.0e+00;
	v33 =	vld [tilespmem:s20+$0xC410]  }
0xcc: {  	v23 =	vadd.f32 $-1.000000000e+00, v14;
	v22 =	vadd.f32 $-1.000000000e+00, v15;
	v17 =	vmin.f32 v13, $0.0e+00;
	v16 =	vld [tilespmem:s20+$0xC060]  }
0xcd: {  	v25 =	vadd.f32 $-1.000000000e+00, v12;
	v15 =	vmin.f32 v10, $0.0e+00;
	v50 =	vmin.f32 v11, $0.0e+00;
	v14 =	vld [tilespmem:s20+$0xC070]  }
0xce: {  	v26 =	vadd.f32 $-1.000000000e+00, v13;
	v51 =	vmin.f32 v29, $0.0e+00;
	v52 =	vmin.f32 v31, $0.0e+00;
	v12 =	vld [tilespmem:s20+$0xC040]  }
0xcf: {  	v27 =	vadd.f32 $-1.000000000e+00, v10;
	v28 =	vadd.f32 $-1.000000000e+00, v11;
	v53 =	vmin.f32 v0, $0.0e+00;
	v13 =	vld [tilespmem:s20+$0xC050]  }
0xd0: {  	v30 =	vadd.f32 $-1.000000000e+00, v29;
	v29 =	vadd.f32 $-1.000000000e+00, v31;
	v54 =	vmin.f32 v1, $0.0e+00  }
0xd1: {  	v31 =	vadd.f32 $-1.000000000e+00, v0;
	v55 =	vmin.f32 v5, $0.0e+00;
	v40 =	vmin.f32 v33, $0.0e+00;
	v35 =	vld [tilespmem:s20+$0xC020]  }
0xd2: {  	v34 =	vadd.f32 $-1.000000000e+00, v1;
	v44 =	vmin.f32 v16, $0.0e+00;
	v41 =	vld [tilespmem:s20+$0xC030];
	v42 =	vmin.f32 v14, $0.0e+00  }
0xd3: {  	v32 =	vadd.f32 $-1.000000000e+00, v5;
	v33 =	vadd.f32 $-1.000000000e+00, v33;
	v45 =	vmin.f32 v12, $0.0e+00  }
0xd4: {  	v0 =	vmul.f32 v36, v36;
	v37 =	vadd.f32 $-1.000000000e+00, v16;
	v43 =	vmin.f32 v13, $0.0e+00  }
0xd5: {  	v2 =	vmul.f32 v2, v2;
	v1 =	vmul.f32 v4, v4;
	v36 =	vadd.f32 $-1.000000000e+00, v14;
	v46 =	vld [tilespmem:s20+$0xC000]  }
0xd6: {  	v3 =	vmul.f32 v3, v3;
	v4 =	vmul.f32 v24, v24;
	v47 =	vld [tilespmem:s20+$0xC010];
	v49 =	vmin.f32 v35, $0.0e+00  }
.Ltmp1:
0xd7: {  	v10 =	vmul.f32 v39, v39;
	v5 =	vmul.f32 v38, v38;
	v48 =	vmin.f32 v41, $0.0e+00;
	(pc) =	sbr.rel @p1 .LBB2_5-.Ltmp1, $4  }
0xd8: {  	v11 =	vmul.f32 v17, v17;
	v39 =	vadd.f32 $-1.000000000e+00, v12;
	v12 =	vmul.f32 v15, v15  }
0xd9: {  	v14 =	vmul.f32 v51, v51;
	v38 =	vadd.f32 $-1.000000000e+00, v13;
	v13 =	vmul.f32 v50, v50  }
0xda: {  	v16 =	vmul.f32 v53, v53;
	v15 =	vmul.f32 v52, v52;
	v50 =	vmin.f32 v46, $0.0e+00  }
0xdb: {  	s19 =	sadd.s32 $0x1, s19;
	v17 =	vmul.f32 v54, v54;
	v24 =	vmul.f32 v55, v55;
	v51 =	vmin.f32 v47, $0.0e+00  }
0xdc: {  	v35 =	vadd.f32 $-1.000000000e+00, v35;
	v44 =	vmul.f32 v44, v44;
	v40 =	vmul.f32 v40, v40  }
0xdd: {  	v41 =	vadd.f32 $-1.000000000e+00, v41;
	v45 =	vmul.f32 v45, v45;
	v42 =	vmul.f32 v42, v42  }
0xde: {  	v46 =	vadd.f32 $-1.000000000e+00, v46;
	v49 =	vmul.f32 v49, v49;
	v43 =	vmul.f32 v43, v43  }
0xdf: {  	v50 =	vmul.f32 v50, v50;
	v47 =	vadd.f32 $-1.000000000e+00, v47;
	v48 =	vmul.f32 v48, v48  }
0xe0: {  	v51 =	vmul.f32 v51, v51;
	v18 =	vmax.f32 v18, $0.0e+00;
	v19 =	vmax.f32 v19, $0.0e+00  }
0xe1: {  	v23 =	vmax.f32 v23, $0.0e+00;
	v20 =	vmax.f32 v20, $0.0e+00;
	v21 =	vmax.f32 v21, $0.0e+00  }
0xe2: {  	v25 =	vmax.f32 v25, $0.0e+00;
	v26 =	vmax.f32 v26, $0.0e+00;
	v22 =	vmax.f32 v22, $0.0e+00  }
0xe3: {  	v30 =	vmax.f32 v30, $0.0e+00;
	v27 =	vmax.f32 v27, $0.0e+00;
	v28 =	vmax.f32 v28, $0.0e+00  }
0xe4: {  	v31 =	vmax.f32 v31, $0.0e+00;
	v34 =	vmax.f32 v34, $0.0e+00;
	v29 =	vmax.f32 v29, $0.0e+00  }
0xe5: {  	v37 =	vmax.f32 v37, $0.0e+00;
	v32 =	vmax.f32 v32, $0.0e+00;
	v33 =	vmax.f32 v33, $0.0e+00  }
0xe6: {  	v39 =	vmax.f32 v39, $0.0e+00;
	v36 =	vmax.f32 v36, $0.0e+00;
	v46 =	vmax.f32 v46, $0.0e+00  }
0xe7: {  	v38 =	vmax.f32 v38, $0.0e+00;
	v47 =	vmax.f32 v47, $0.0e+00;
	v46 =	vmul.f32 v46, v46  }
0xe8: {  	v35 =	vmax.f32 v35, $0.0e+00;
	v41 =	vmax.f32 v41, $0.0e+00;
	v47 =	vmul.f32 v47, v47  }
0xe9: {  	v7 =	vadd.f32 v50, v7;
	v35 =	vmul.f32 v35, v35;
	v6 =	vadd.f32 v46, v6  }
0xea: {  	v9 =	vadd.f32 v51, v9;
	v41 =	vmul.f32 v41, v41;
	v8 =	vadd.f32 v47, v8  }
0xeb: {  	v50 =	vmul.f32 v39, v39;
	v7 =	vadd.f32 v49, v7;
	v6 =	vadd.f32 v35, v6  }
0xec: {  	v38 =	vmul.f32 v38, v38;
	v9 =	vadd.f32 v48, v9;
	v8 =	vadd.f32 v41, v8  }
0xed: {  	v51 =	vmul.f32 v37, v37;
	v7 =	vadd.f32 v45, v7;
	v6 =	vadd.f32 v50, v6  }
0xee: {  	v36 =	vmul.f32 v36, v36;
	v9 =	vadd.f32 v43, v9;
	v8 =	vadd.f32 v38, v8  }
0xef: {  	v32 =	vmul.f32 v32, v32;
	v7 =	vadd.f32 v44, v7;
	v6 =	vadd.f32 v51, v6  }
0xf0: {  	v33 =	vmul.f32 v33, v33;
	v9 =	vadd.f32 v42, v9;
	v8 =	vadd.f32 v36, v8  }
0xf1: {  	v52 =	vmul.f32 v31, v31;
	v7 =	vadd.f32 v24, v7;
	v6 =	vadd.f32 v32, v6  }
0xf2: {  	v53 =	vmul.f32 v34, v34;
	v9 =	vadd.f32 v40, v9;
	v8 =	vadd.f32 v33, v8  }
0xf3: {  	v54 =	vmul.f32 v30, v30;
	v7 =	vadd.f32 v16, v7;
	v6 =	vadd.f32 v52, v6  }
0xf4: {  	v55 =	vmul.f32 v29, v29;
	v9 =	vadd.f32 v17, v9;
	v8 =	vadd.f32 v53, v8  }
0xf5: {  	v56 =	vmul.f32 v27, v27;
	v7 =	vadd.f32 v14, v7;
	v6 =	vadd.f32 v54, v6  }
0xf6: {  	v57 =	vmul.f32 v28, v28;
	v9 =	vadd.f32 v15, v9;
	v8 =	vadd.f32 v55, v8  }
0xf7: {  	v58 =	vmul.f32 v25, v25;
	v7 =	vadd.f32 v12, v7;
	v6 =	vadd.f32 v56, v6  }
0xf8: {  	v59 =	vmul.f32 v26, v26;
	v9 =	vadd.f32 v13, v9;
	v8 =	vadd.f32 v57, v8  }
0xf9: {  	v60 =	vmul.f32 v23, v23;
	v7 =	vadd.f32 v10, v7;
	v6 =	vadd.f32 v58, v6  }
0xfa: {  	v61 =	vmul.f32 v22, v22;
	v9 =	vadd.f32 v11, v9;
	v8 =	vadd.f32 v59, v8  }
0xfb: {  	v4 =	vadd.f32 v4, v7;
	v7 =	vmul.f32 v20, v20;
	v6 =	vadd.f32 v60, v6  }
.Ltmp2:
0xfc: {  	v62 =	vmul.f32 v21, v21;
	v5 =	vadd.f32 v5, v9;
	v8 =	vadd.f32 v61, v8;
	(pc) =	sbr.rel @p0 .LBB2_2-.Ltmp2, $4  }
0xfd: {  	v2 =	vadd.f32 v2, v4;
	v4 =	vmul.f32 v18, v18;
	v6 =	vadd.f32 v7, v6  }
0xfe: {  	v63 =	vmul.f32 v19, v19;
	v3 =	vadd.f32 v3, v5;
	v8 =	vadd.f32 v62, v8  }
0xff: {  	[tilespmem:s11], [sflag:$0x2] =	stream.linear.gather [hbm4b:s7+s3], $0xC000, $0x38;
	v5 =	vadd.f32 v0, v2;
	v7 =	vadd.f32 v4, v6;
	[tilespmem:$0x18100] =	vst v63  }
0x100: {  	s18 =	simm.s32 $0x10;
	p1 =	por $0x0, $0x0;
	v6 =	vadd.f32 v63, v8;
	v4 =	vadd.f32 v1, v3  }
0x101: {  	_ =	swait.ge [sflag:s12], $0xC000  }
0x102: {  	[sflag:s12] =	ssyncset.done $0x0  }
0x103: {  	[sflag:s12] =	ssyncadd.s32 $0xFFFF4000  }
0x104: {  	_ =	swait.ge [sflag:s13], $0xC000  }
0x105: {  	v0 =	vadd.f32 v6, v7;
	[sflag:s13] =	ssyncset.done $0x0  }
0x106: {  	v1 =	vadd.f32 v4, v5;
	[sflag:s13] =	ssyncadd.s32 $0xFFFF4000  }
0x107: {  	[tilespmem:$0x18000] =	vst v0  }
0x108: {  	[tilespmem:$0x18080] =	vst v1  }
0x109: {  	[hbm4b:s8+s3] =	stream.linear.scatter [tilespmem:s14], [sflag:$0x3], $0x80, $0x38;
	[tilespmem:$0x18100] =	vst v63  }
0x10a: {  	s17 =	sadd.s32 $0x1, s17;
	_ =	swait.ge [sflag:s15], $0x80  }
0x10b: {  	p0 =	sne.s32 s17, s10;
	[sflag:s15] =	ssyncset.done $0x0  }
.Ltmp3:
0x10c: {  	[sflag:s15] =	ssyncadd.s32 $0xFFFFFF80;
	(pc) =	sbr.rel @p0 .LBB2_1-.Ltmp3, $4  }
0x10d: {  	[hbm4b:s9+s3] =	stream.linear.scatter [tilespmem:s16], [sflag:$0x3], $0x80, $0x38;
	[tilespmem:$0x18100] =	vst v63  }
0x10e: {  	_ =	swait.ge [sflag:s15], $0x80  }
0x10f: {  	[sflag:s15] =	ssyncset.done $0x0  }
0x110: {  	[sflag:s15] =	ssyncadd.s32 $0xFFFFFF80  }
0x111: {  	_ =	sfence.sel $0x180000  }
0x112: {  	[bflag:$0x0] =	sbarrier.arrive $0xFFFF  }
0x113: {  	p0 =	sne.s32 s0, $0x0;
	_ =	strace $0x90000047  }
0x114: {  	s0 =	sadd.s32 @!p0 $0x100000, s1;
	[bflag:$0x2] =	sbarrier.arrive $0xFFFF  }
0x115: {  	[sflag:s0] =	ssyncadd.tile.s32 @!p0 $0x1;
	_ =	shalt  }
.Lfunc_end2:
_tile_overlayer_lowered:
.L_overlay_start_2:
0x116: {  	(tag) =	ssettag $0x2  }
0x117: {  	s0 =	rddreg [dreg:$0x0];
	s2 =	stileid.u32  }
0x118: {  	s1 =	rddreg [dreg:$0x1];
	p0 =	sne.s32 s2, $0x0  }
0x119: {  	s3 =	rddreg [dreg:$0x2];
	[bflag:$0x3] =	sbarrier.arrive $0xFFFF;
	s2 =	simm.s32 @!p0 $0x1C03  }
0x11a: {  	[timem:s3], [sflag:s2] =	dma.local @!p0 [hbm:s0], s1  }
0x11b: {  	s0 =	simm.s32 @!p0 $0x3  }
0x11c: {  	_ =	swait.ge @!p0 [sflag:s0], s1  }
0x11d: {  	s1 =	ssub.s32 @!p0 $0x0, s1;
	[sflag:s0] =	ssyncset.done @!p0 $0x0  }
0x11e: {  	[sflag:s0] =	ssyncadd.s32 @!p0 s1  }
0x11f: {  	[bflag:$0x3] =	sbarrier.arrive $0xFFFF  }
0x120: {  	_ =	shalt  }

</sc_bundles>
